<compile_context>
chip_gen: v7x
topology: tpu7x:2x2x1
jax: 0.10.2.dev20260603
libtpu: 0.0.44.dev20260713+nightly
codegen_flags: <defaults>
</compile_context>

<pallas_src>
import functools

import jax
import jax.numpy as jnp
from jax import lax
from jax.experimental import pallas as pl
from jax.experimental.pallas import tpu as pltpu
from jax.experimental.pallas import tpu_sc as plsc

NC = 2
NS = 16
L = 16

V = 1000000
VP = 512000
D = 64
B = 4096 * 200
B_PER_W = B // (NC * NS)
C = 128
N_CH = B_PER_W // C
NBUF = 5


def _tc0_body(lo_ref, hi_ref, o_ref):
  o_ref[:, 0:D] = jnp.transpose(lo_ref[...], (1, 0))
  o_ref[:, D:2 * D] = jnp.transpose(hi_ref[...], (1, 0))


_tc0 = pl.pallas_call(
    _tc0_body,
    grid=(VP // 12800,),
    in_specs=[
        pl.BlockSpec((D, 12800), lambda i: (0, i)),
        pl.BlockSpec((D, 12800),
                     lambda i: (0, jnp.minimum(VP // 12800 + i, 78))),
    ],
    out_specs=pl.BlockSpec((12800, 2 * D), lambda i: (i, 0)),
    out_shape=jax.ShapeDtypeStruct((VP, 2 * D), jnp.float32),
)


def _tc2_body(i_ref, x_ref, o_ref):
  for si in range(8):
    vt = jnp.transpose(i_ref[si], (1, 0))
    mask = x_ref[pl.ds(si, 1), :] >= VP
    sel = jnp.where(mask, vt[D:2 * D, :], vt[0:D, :])
    o_ref[si] = jnp.maximum(sel, 0.0)


_tc2 = pl.pallas_call(
    _tc2_body,
    grid=(25, 4),
    in_specs=[
        pl.BlockSpec((8, 1024, 2 * D), lambda s, b: (s, b, 0)),
        pl.BlockSpec((8, 1024), lambda s, b: (s, b)),
    ],
    out_specs=pl.BlockSpec((8, D, 1024), lambda s, b: (s, 0, b)),
    out_shape=jax.ShapeDtypeStruct((200, D, 4096), jnp.float32),
)


def _make_sc():
  mesh = plsc.VectorSubcoreMesh(
      core_axis_name="c", subcore_axis_name="s",
      num_cores=NC, num_subcores=NS)

  @functools.partial(
      pl.kernel,
      out_type=jax.ShapeDtypeStruct((B, 2 * D), jnp.float32),
      mesh=mesh,
      compiler_params=pltpu.CompilerParams(use_tc_tiling_on_sc=False),
      scratch_types=[
          pltpu.VMEM((B_PER_W,), jnp.int32),
          pltpu.VMEM((NBUF * C, 2 * D), jnp.float32),
          [pltpu.SemaphoreType.DMA] * NBUF,
          [pltpu.SemaphoreType.DMA] * NBUF,
      ],
  )
  def sc_kernel(w_hbm, idx_hbm, out_hbm, idx_v, buf, gsem, ssem):
    wid = lax.axis_index("s") * NC + lax.axis_index("c")
    base = wid * B_PER_W
    pltpu.sync_copy(idx_hbm.at[pl.ds(base, B_PER_W)], idx_v)

    def gather_desc(c, b):
      return pltpu.make_async_copy(
          w_hbm.at[idx_v.at[pl.ds(c * C, C)]],
          buf.at[pl.ds(b * C, C)],
          gsem[b])

    def scatter_desc(c, b):
      return pltpu.make_async_copy(
          buf.at[pl.ds(b * C, C)],
          out_hbm.at[pl.ds(base + c * C, C)],
          ssem[b])

    gather_desc(0, 0).start()
    gather_desc(1, 1).start()

    @pl.loop(0, N_CH, step=NBUF)
    def _wave(c0):
      for b in range(NBUF):
        c = c0 + b
        gather_desc(c, b).wait()
        scatter_desc(c, b).start()

        @pl.when(c + 2 < N_CH)
        def _():
          b2 = (b + 2) % NBUF

          @pl.when(c + 2 >= NBUF)
          def _():
            scatter_desc(c + 2 - NBUF, b2).wait()

          gather_desc(c + 2, b2).start()

    for c in range(N_CH - NBUF, N_CH):
      scatter_desc(c, c % NBUF).wait()

  return sc_kernel


_sc1 = _make_sc()


@jax.jit
def kernel(x, W):
  wt = W.T
  w2 = _tc0(wt, wt)
  idx = x.astype(jnp.int32).T.reshape(-1)
  pix = jnp.where(idx >= VP, idx - VP, idx)
  im = _sc1(w2, pix)
  im3 = im.reshape(200, 4096, 2 * D)
  xt = x.astype(jnp.int32).T
  out3 = _tc2(im3, xt)
  return out3.transpose(2, 0, 1)

# --- scband reference (transcript-rebuilt; emitter-appended) ---
"""Pipeline reference for scband-word-embedding-1898375544907 (READ-ONLY COPY).

The authoritative reference and input builder live on the scoring server;
editing this copy changes nothing except your own understanding.
"""

import jax, jax.numpy as jnp
import numpy as np

VOCAB = 1000000
EMBD = 64

def setup_inputs(seed: int = 0) -> dict:
    key = jax.random.key(seed)
    k1, k2 = jax.random.split(key)
    x = jax.random.randint(k1, (4096, 200), 0, VOCAB, dtype=jnp.int64)
    W = jax.random.normal(k2, (VOCAB, EMBD), dtype=jnp.float32) * 0.02
    return {"x": x, "W": W}

def reference(x, W):
    emb = jnp.take(W, x, axis=0)
    out = jax.nn.relu(emb)
    return out

if __name__ == "__main__":
    import jax
    _d = setup_inputs()
    print(jax.jit(kernel)(*tuple(_d.values())))

</pallas_src>

<mosaic_0001>
#map = affine_map<(d0, d1) -> (0, 0)>
#map1 = affine_map<(d0, d1) -> (0)>
module attributes {stable_mosaic.version = 14 : i64} {
  func.func @sc_kernel(%arg0: i32, %arg1: i32, %arg2: memref<512000x128xf32, #tpu.memory_space<hbm>>, %arg3: memref<819200xi32, #tpu.memory_space<hbm>>, %arg4: memref<819200x128xf32, #tpu.memory_space<hbm>>, %arg5: memref<25600xi32, #tpu.memory_space<vmem>>, %arg6: memref<640x128xf32, #tpu.memory_space<vmem>>, %arg7: memref<!tpu.dma_semaphore, #tpu.memory_space<semaphore_mem>>, %arg8: memref<!tpu.dma_semaphore, #tpu.memory_space<semaphore_mem>>, %arg9: memref<!tpu.dma_semaphore, #tpu.memory_space<semaphore_mem>>, %arg10: memref<!tpu.dma_semaphore, #tpu.memory_space<semaphore_mem>>, %arg11: memref<!tpu.dma_semaphore, #tpu.memory_space<semaphore_mem>>, %arg12: memref<!tpu.dma_semaphore, #tpu.memory_space<semaphore_mem>>, %arg13: memref<!tpu.dma_semaphore, #tpu.memory_space<semaphore_mem>>, %arg14: memref<!tpu.dma_semaphore, #tpu.memory_space<semaphore_mem>>, %arg15: memref<!tpu.dma_semaphore, #tpu.memory_space<semaphore_mem>>, %arg16: memref<!tpu.dma_semaphore, #tpu.memory_space<semaphore_mem>>) attributes {dimension_semantics = [#tpu.dimension_semantics<core_parallel>, #tpu.dimension_semantics<subcore_parallel>], iteration_bounds = array<i64: 2, 16>, scalar_prefetch = 0 : i64, scratch_operands = 12 : i64, tpu.core_type = #tpu.core_type<sc_vector_subcore>, window_params = [{transform_indices = #map}, {transform_indices = #map1}, {transform_indices = #map}]} {
    %mul3A = arith.constant 2 : i32
    %mul3A_0 = arith.muli %arg1, %mul3A : i32
    %add3A = arith.addi %mul3A_0, %arg0 : i32
    %mul3A_1 = arith.constant 25600 : i32
    %mul3A_2 = arith.muli %add3A, %mul3A_1 : i32
    "tpu.region"() ({
      %run_scoped3A = tpu.sem_alloc : memref<!tpu.dma_semaphore, #tpu.memory_space<semaphore_mem>>
      %dma_start3A_81 = tpu.memref_slice %arg3[%mul3A_2] : memref<819200xi32, #tpu.memory_space<hbm>> -> memref<25600xi32, #tpu.memory_space<hbm>>
      %dma_start3A_82 = tpu.memref_slice %arg3[%mul3A_2] : memref<819200xi32, #tpu.memory_space<hbm>> -> memref<25600xi32, #tpu.memory_space<hbm>>
      tpu.enqueue_dma source(%dma_start3A_82 : memref<25600xi32, #tpu.memory_space<hbm>>) target(%arg5 : memref<25600xi32, #tpu.memory_space<vmem>>) target_semaphore(%run_scoped3A : memref<!tpu.dma_semaphore, #tpu.memory_space<semaphore_mem>>)
      %dma_wait3A_83 = tpu.memref_slice %arg3[%mul3A_2] : memref<819200xi32, #tpu.memory_space<hbm>> -> memref<25600xi32, #tpu.memory_space<hbm>>
      %dma_wait3A_84 = tpu.memref_slice %arg3[%mul3A_2] : memref<819200xi32, #tpu.memory_space<hbm>> -> memref<25600xi32, #tpu.memory_space<hbm>>
      tpu.wait_dma2 semaphore(%run_scoped3A : memref<!tpu.dma_semaphore, #tpu.memory_space<semaphore_mem>>) src(%dma_wait3A_84 : memref<25600xi32, #tpu.memory_space<hbm>>) dst(%arg5 : memref<25600xi32, #tpu.memory_space<vmem>>)
      tpu.yield
    }) : () -> ()
    %dma_start3A = arith.constant 0 : i32
    %dma_start3A_3 = arith.constant 0 : i32
    %dma_start3A_4 = tpu.memref_slice %arg6[%dma_start3A, %dma_start3A_3] : memref<640x128xf32, #tpu.memory_space<vmem>> -> memref<128x128xf32, #tpu.memory_space<vmem>>
    %dma_start3A_5 = arith.constant 0 : i32
    %dma_start3A_6 = tpu.memref_slice %arg5[%dma_start3A_5] : memref<25600xi32, #tpu.memory_space<vmem>> -> memref<128xi32, #tpu.memory_space<vmem>>
    %dma_start3A_7 = arith.constant 0 : i32
    %dma_start3A_8 = arith.constant 0 : i32
    %dma_start3A_9 = tpu.memref_slice %arg2[%dma_start3A_7, %dma_start3A_8] : memref<512000x128xf32, #tpu.memory_space<hbm>> -> memref<512000x128xf32, #tpu.memory_space<hbm>>
    tpu.enqueue_indirect_dma source(%dma_start3A_9 : memref<512000x128xf32, #tpu.memory_space<hbm>>) target(%dma_start3A_4 : memref<128x128xf32, #tpu.memory_space<vmem>>) offsets(%dma_start3A_6 : memref<128xi32, #tpu.memory_space<vmem>>) semaphore(%arg7 : memref<!tpu.dma_semaphore, #tpu.memory_space<semaphore_mem>>)
    %dma_start3A_10 = arith.constant 128 : i32
    %dma_start3A_11 = arith.constant 0 : i32
    %dma_start3A_12 = tpu.memref_slice %arg6[%dma_start3A_10, %dma_start3A_11] : memref<640x128xf32, #tpu.memory_space<vmem>> -> memref<128x128xf32, #tpu.memory_space<vmem>>
    %dma_start3A_13 = arith.constant 128 : i32
    %dma_start3A_14 = tpu.memref_slice %arg5[%dma_start3A_13] : memref<25600xi32, #tpu.memory_space<vmem>> -> memref<128xi32, #tpu.memory_space<vmem>>
    %dma_start3A_15 = arith.constant 0 : i32
    %dma_start3A_16 = arith.constant 0 : i32
    %dma_start3A_17 = tpu.memref_slice %arg2[%dma_start3A_15, %dma_start3A_16] : memref<512000x128xf32, #tpu.memory_space<hbm>> -> memref<512000x128xf32, #tpu.memory_space<hbm>>
    tpu.enqueue_indirect_dma source(%dma_start3A_17 : memref<512000x128xf32, #tpu.memory_space<hbm>>) target(%dma_start3A_12 : memref<128x128xf32, #tpu.memory_space<vmem>>) offsets(%dma_start3A_14 : memref<128xi32, #tpu.memory_space<vmem>>) semaphore(%arg8 : memref<!tpu.dma_semaphore, #tpu.memory_space<semaphore_mem>>)
    %scan3A = arith.constant 0 : i32
    %scan3A_18 = arith.constant 40 : i32
    %scan3A_19 = arith.addi %scan3A, %scan3A_18 : i32
    %scan3A_20 = arith.constant 1 : i32
    scf.for %scan3A_81 = %scan3A to %scan3A_19 step %scan3A_20  : i32 {
      %mul3A_82 = arith.constant 5 : i32
      %mul3A_83 = arith.muli %scan3A_81, %mul3A_82 : i32
      %add3A_84 = arith.constant 0 : i32
      %add3A_85 = arith.addi %add3A_84, %mul3A_83 : i32
      %add3A_86 = arith.constant 0 : i32
      %add3A_87 = arith.addi %add3A_85, %add3A_86 : i32
      %mul3A_88 = arith.constant 128 : i32
      %mul3A_89 = arith.muli %add3A_87, %mul3A_88 : i32
      %dma_wait3A_90 = arith.constant 0 : i32
      %dma_wait3A_91 = arith.constant 0 : i32
      %dma_wait3A_92 = tpu.memref_slice %arg6[%dma_wait3A_90, %dma_wait3A_91] : memref<640x128xf32, #tpu.memory_space<vmem>> -> memref<128x128xf32, #tpu.memory_space<vmem>>
      %dma_wait3A_93 = tpu.memref_slice %arg5[%mul3A_89] : memref<25600xi32, #tpu.memory_space<vmem>> -> memref<128xi32, #tpu.memory_space<vmem>>
      %dma_wait3A_94 = arith.constant 0 : i32
      %dma_wait3A_95 = arith.constant 0 : i32
      %dma_wait3A_96 = tpu.memref_slice %arg2[%dma_wait3A_94, %dma_wait3A_95] : memref<512000x128xf32, #tpu.memory_space<hbm>> -> memref<512000x128xf32, #tpu.memory_space<hbm>>
      tpu.wait_indirect_dma semaphore(%arg7 : memref<!tpu.dma_semaphore, #tpu.memory_space<semaphore_mem>>) src(%dma_wait3A_96 : memref<512000x128xf32, #tpu.memory_space<hbm>>) dst(%dma_wait3A_92 : memref<128x128xf32, #tpu.memory_space<vmem>>)
      %mul3A_97 = arith.constant 128 : i32
      %mul3A_98 = arith.muli %add3A_87, %mul3A_97 : i32
      %add3A_99 = arith.addi %mul3A_2, %mul3A_98 : i32
      %dma_start3A_100 = arith.constant 0 : i32
      %dma_start3A_101 = arith.constant 0 : i32
      %dma_start3A_102 = tpu.memref_slice %arg6[%dma_start3A_100, %dma_start3A_101] : memref<640x128xf32, #tpu.memory_space<vmem>> -> memref<128x128xf32, #tpu.memory_space<vmem>>
      %dma_start3A_103 = arith.constant 0 : i32
      %dma_start3A_104 = tpu.memref_slice %arg4[%add3A_99, %dma_start3A_103] : memref<819200x128xf32, #tpu.memory_space<hbm>> -> memref<128x128xf32, #tpu.memory_space<hbm>>
      %dma_start3A_105 = arith.constant 0 : i32
      %dma_start3A_106 = tpu.memref_slice %arg4[%add3A_99, %dma_start3A_105] : memref<819200x128xf32, #tpu.memory_space<hbm>> -> memref<128x128xf32, #tpu.memory_space<hbm>>
      %dma_start3A_107 = arith.constant 0 : i32
      %dma_start3A_108 = arith.constant 0 : i32
      %dma_start3A_109 = tpu.memref_slice %arg6[%dma_start3A_107, %dma_start3A_108] : memref<640x128xf32, #tpu.memory_space<vmem>> -> memref<128x128xf32, #tpu.memory_space<vmem>>
      tpu.enqueue_dma source(%dma_start3A_109 : memref<128x128xf32, #tpu.memory_space<vmem>>) target(%dma_start3A_106 : memref<128x128xf32, #tpu.memory_space<hbm>>) target_semaphore(%arg12 : memref<!tpu.dma_semaphore, #tpu.memory_space<semaphore_mem>>)
      %add3A_110 = arith.constant 2 : i32
      %add3A_111 = arith.addi %add3A_87, %add3A_110 : i32
      %lt3A = arith.constant 200 : i32
      %lt3A_112 = arith.cmpi slt, %add3A_111, %lt3A : i32
      %convert_element_type3A = arith.extui %lt3A_112 : i1 to i32
      %cond3A = arith.constant 0 : i32
      %cond3A_113 = arith.cmpi ne, %convert_element_type3A, %cond3A : i32
      scf.if %cond3A_113 {
        %add3A_238 = arith.constant 2 : i32
        %add3A_239 = arith.addi %add3A_87, %add3A_238 : i32
        %ge3A = arith.constant 5 : i32
        %ge3A_240 = arith.cmpi sge, %add3A_239, %ge3A : i32
        %convert_element_type3A_241 = arith.extui %ge3A_240 : i1 to i32
        %cond3A_242 = arith.constant 0 : i32
        %cond3A_243 = arith.cmpi ne, %convert_element_type3A_241, %cond3A_242 : i32
        scf.if %cond3A_243 {
          %add3A_255 = arith.constant 2 : i32
          %add3A_256 = arith.addi %add3A_87, %add3A_255 : i32
          %sub3A = arith.constant 5 : i32
          %sub3A_257 = arith.subi %add3A_256, %sub3A : i32
          %mul3A_258 = arith.constant 128 : i32
          %mul3A_259 = arith.muli %sub3A_257, %mul3A_258 : i32
          %add3A_260 = arith.addi %mul3A_2, %mul3A_259 : i32
          %dma_wait3A_261 = arith.constant 256 : i32
          %dma_wait3A_262 = arith.constant 0 : i32
          %dma_wait3A_263 = tpu.memref_slice %arg6[%dma_wait3A_261, %dma_wait3A_262] : memref<640x128xf32, #tpu.memory_space<vmem>> -> memref<128x128xf32, #tpu.memory_space<vmem>>
          %dma_wait3A_264 = arith.constant 0 : i32
          %dma_wait3A_265 = tpu.memref_slice %arg4[%add3A_260, %dma_wait3A_264] : memref<819200x128xf32, #tpu.memory_space<hbm>> -> memref<128x128xf32, #tpu.memory_space<hbm>>
          %dma_wait3A_266 = arith.constant 0 : i32
          %dma_wait3A_267 = tpu.memref_slice %arg4[%add3A_260, %dma_wait3A_266] : memref<819200x128xf32, #tpu.memory_space<hbm>> -> memref<128x128xf32, #tpu.memory_space<hbm>>
          %dma_wait3A_268 = arith.constant 256 : i32
          %dma_wait3A_269 = arith.constant 0 : i32
          %dma_wait3A_270 = tpu.memref_slice %arg6[%dma_wait3A_268, %dma_wait3A_269] : memref<640x128xf32, #tpu.memory_space<vmem>> -> memref<128x128xf32, #tpu.memory_space<vmem>>
          tpu.wait_dma2 semaphore(%arg14 : memref<!tpu.dma_semaphore, #tpu.memory_space<semaphore_mem>>) src(%dma_wait3A_270 : memref<128x128xf32, #tpu.memory_space<vmem>>) dst(%dma_wait3A_267 : memref<128x128xf32, #tpu.memory_space<hbm>>)
        } else {
        }
        %add3A_244 = arith.constant 2 : i32
        %add3A_245 = arith.addi %add3A_87, %add3A_244 : i32
        %mul3A_246 = arith.constant 128 : i32
        %mul3A_247 = arith.muli %add3A_245, %mul3A_246 : i32
        %dma_start3A_248 = arith.constant 256 : i32
        %dma_start3A_249 = arith.constant 0 : i32
        %dma_start3A_250 = tpu.memref_slice %arg6[%dma_start3A_248, %dma_start3A_249] : memref<640x128xf32, #tpu.memory_space<vmem>> -> memref<128x128xf32, #tpu.memory_space<vmem>>
        %dma_start3A_251 = tpu.memref_slice %arg5[%mul3A_247] : memref<25600xi32, #tpu.memory_space<vmem>> -> memref<128xi32, #tpu.memory_space<vmem>>
        %dma_start3A_252 = arith.constant 0 : i32
        %dma_start3A_253 = arith.constant 0 : i32
        %dma_start3A_254 = tpu.memref_slice %arg2[%dma_start3A_252, %dma_start3A_253] : memref<512000x128xf32, #tpu.memory_space<hbm>> -> memref<512000x128xf32, #tpu.memory_space<hbm>>
        tpu.enqueue_indirect_dma source(%dma_start3A_254 : memref<512000x128xf32, #tpu.memory_space<hbm>>) target(%dma_start3A_250 : memref<128x128xf32, #tpu.memory_space<vmem>>) offsets(%dma_start3A_251 : memref<128xi32, #tpu.memory_space<vmem>>) semaphore(%arg9 : memref<!tpu.dma_semaphore, #tpu.memory_space<semaphore_mem>>)
      } else {
      }
      %add3A_114 = arith.constant 1 : i32
      %add3A_115 = arith.addi %add3A_85, %add3A_114 : i32
      %mul3A_116 = arith.constant 128 : i32
      %mul3A_117 = arith.muli %add3A_115, %mul3A_116 : i32
      %dma_wait3A_118 = arith.constant 128 : i32
      %dma_wait3A_119 = arith.constant 0 : i32
      %dma_wait3A_120 = tpu.memref_slice %arg6[%dma_wait3A_118, %dma_wait3A_119] : memref<640x128xf32, #tpu.memory_space<vmem>> -> memref<128x128xf32, #tpu.memory_space<vmem>>
      %dma_wait3A_121 = tpu.memref_slice %arg5[%mul3A_117] : memref<25600xi32, #tpu.memory_space<vmem>> -> memref<128xi32, #tpu.memory_space<vmem>>
      %dma_wait3A_122 = arith.constant 0 : i32
      %dma_wait3A_123 = arith.constant 0 : i32
      %dma_wait3A_124 = tpu.memref_slice %arg2[%dma_wait3A_122, %dma_wait3A_123] : memref<512000x128xf32, #tpu.memory_space<hbm>> -> memref<512000x128xf32, #tpu.memory_space<hbm>>
      tpu.wait_indirect_dma semaphore(%arg8 : memref<!tpu.dma_semaphore, #tpu.memory_space<semaphore_mem>>) src(%dma_wait3A_124 : memref<512000x128xf32, #tpu.memory_space<hbm>>) dst(%dma_wait3A_120 : memref<128x128xf32, #tpu.memory_space<vmem>>)
      %mul3A_125 = arith.constant 128 : i32
      %mul3A_126 = arith.muli %add3A_115, %mul3A_125 : i32
      %add3A_127 = arith.addi %mul3A_2, %mul3A_126 : i32
      %dma_start3A_128 = arith.constant 128 : i32
      %dma_start3A_129 = arith.constant 0 : i32
      %dma_start3A_130 = tpu.memref_slice %arg6[%dma_start3A_128, %dma_start3A_129] : memref<640x128xf32, #tpu.memory_space<vmem>> -> memref<128x128xf32, #tpu.memory_space<vmem>>
      %dma_start3A_131 = arith.constant 0 : i32
      %dma_start3A_132 = tpu.memref_slice %arg4[%add3A_127, %dma_start3A_131] : memref<819200x128xf32, #tpu.memory_space<hbm>> -> memref<128x128xf32, #tpu.memory_space<hbm>>
      %dma_start3A_133 = arith.constant 0 : i32
      %dma_start3A_134 = tpu.memref_slice %arg4[%add3A_127, %dma_start3A_133] : memref<819200x128xf32, #tpu.memory_space<hbm>> -> memref<128x128xf32, #tpu.memory_space<hbm>>
      %dma_start3A_135 = arith.constant 128 : i32
      %dma_start3A_136 = arith.constant 0 : i32
      %dma_start3A_137 = tpu.memref_slice %arg6[%dma_start3A_135, %dma_start3A_136] : memref<640x128xf32, #tpu.memory_space<vmem>> -> memref<128x128xf32, #tpu.memory_space<vmem>>
      tpu.enqueue_dma source(%dma_start3A_137 : memref<128x128xf32, #tpu.memory_space<vmem>>) target(%dma_start3A_134 : memref<128x128xf32, #tpu.memory_space<hbm>>) target_semaphore(%arg13 : memref<!tpu.dma_semaphore, #tpu.memory_space<semaphore_mem>>)
      %add3A_138 = arith.constant 2 : i32
      %add3A_139 = arith.addi %add3A_115, %add3A_138 : i32
      %lt3A_140 = arith.constant 200 : i32
      %lt3A_141 = arith.cmpi slt, %add3A_139, %lt3A_140 : i32
      %convert_element_type3A_142 = arith.extui %lt3A_141 : i1 to i32
      %cond3A_143 = arith.constant 0 : i32
      %cond3A_144 = arith.cmpi ne, %convert_element_type3A_142, %cond3A_143 : i32
      scf.if %cond3A_144 {
        %add3A_238 = arith.constant 2 : i32
        %add3A_239 = arith.addi %add3A_115, %add3A_238 : i32
        %ge3A = arith.constant 5 : i32
        %ge3A_240 = arith.cmpi sge, %add3A_239, %ge3A : i32
        %convert_element_type3A_241 = arith.extui %ge3A_240 : i1 to i32
        %cond3A_242 = arith.constant 0 : i32
        %cond3A_243 = arith.cmpi ne, %convert_element_type3A_241, %cond3A_242 : i32
        scf.if %cond3A_243 {
          %add3A_255 = arith.constant 2 : i32
          %add3A_256 = arith.addi %add3A_115, %add3A_255 : i32
          %sub3A = arith.constant 5 : i32
          %sub3A_257 = arith.subi %add3A_256, %sub3A : i32
          %mul3A_258 = arith.constant 128 : i32
          %mul3A_259 = arith.muli %sub3A_257, %mul3A_258 : i32
          %add3A_260 = arith.addi %mul3A_2, %mul3A_259 : i32
          %dma_wait3A_261 = arith.constant 384 : i32
          %dma_wait3A_262 = arith.constant 0 : i32
          %dma_wait3A_263 = tpu.memref_slice %arg6[%dma_wait3A_261, %dma_wait3A_262] : memref<640x128xf32, #tpu.memory_space<vmem>> -> memref<128x128xf32, #tpu.memory_space<vmem>>
          %dma_wait3A_264 = arith.constant 0 : i32
          %dma_wait3A_265 = tpu.memref_slice %arg4[%add3A_260, %dma_wait3A_264] : memref<819200x128xf32, #tpu.memory_space<hbm>> -> memref<128x128xf32, #tpu.memory_space<hbm>>
          %dma_wait3A_266 = arith.constant 0 : i32
          %dma_wait3A_267 = tpu.memref_slice %arg4[%add3A_260, %dma_wait3A_266] : memref<819200x128xf32, #tpu.memory_space<hbm>> -> memref<128x128xf32, #tpu.memory_space<hbm>>
          %dma_wait3A_268 = arith.constant 384 : i32
          %dma_wait3A_269 = arith.constant 0 : i32
          %dma_wait3A_270 = tpu.memref_slice %arg6[%dma_wait3A_268, %dma_wait3A_269] : memref<640x128xf32, #tpu.memory_space<vmem>> -> memref<128x128xf32, #tpu.memory_space<vmem>>
          tpu.wait_dma2 semaphore(%arg15 : memref<!tpu.dma_semaphore, #tpu.memory_space<semaphore_mem>>) src(%dma_wait3A_270 : memref<128x128xf32, #tpu.memory_space<vmem>>) dst(%dma_wait3A_267 : memref<128x128xf32, #tpu.memory_space<hbm>>)
        } else {
        }
        %add3A_244 = arith.constant 2 : i32
        %add3A_245 = arith.addi %add3A_115, %add3A_244 : i32
        %mul3A_246 = arith.constant 128 : i32
        %mul3A_247 = arith.muli %add3A_245, %mul3A_246 : i32
        %dma_start3A_248 = arith.constant 384 : i32
        %dma_start3A_249 = arith.constant 0 : i32
        %dma_start3A_250 = tpu.memref_slice %arg6[%dma_start3A_248, %dma_start3A_249] : memref<640x128xf32, #tpu.memory_space<vmem>> -> memref<128x128xf32, #tpu.memory_space<vmem>>
        %dma_start3A_251 = tpu.memref_slice %arg5[%mul3A_247] : memref<25600xi32, #tpu.memory_space<vmem>> -> memref<128xi32, #tpu.memory_space<vmem>>
        %dma_start3A_252 = arith.constant 0 : i32
        %dma_start3A_253 = arith.constant 0 : i32
        %dma_start3A_254 = tpu.memref_slice %arg2[%dma_start3A_252, %dma_start3A_253] : memref<512000x128xf32, #tpu.memory_space<hbm>> -> memref<512000x128xf32, #tpu.memory_space<hbm>>
        tpu.enqueue_indirect_dma source(%dma_start3A_254 : memref<512000x128xf32, #tpu.memory_space<hbm>>) target(%dma_start3A_250 : memref<128x128xf32, #tpu.memory_space<vmem>>) offsets(%dma_start3A_251 : memref<128xi32, #tpu.memory_space<vmem>>) semaphore(%arg10 : memref<!tpu.dma_semaphore, #tpu.memory_space<semaphore_mem>>)
      } else {
      }
      %add3A_145 = arith.constant 2 : i32
      %add3A_146 = arith.addi %add3A_85, %add3A_145 : i32
      %mul3A_147 = arith.constant 128 : i32
      %mul3A_148 = arith.muli %add3A_146, %mul3A_147 : i32
      %dma_wait3A_149 = arith.constant 256 : i32
      %dma_wait3A_150 = arith.constant 0 : i32
      %dma_wait3A_151 = tpu.memref_slice %arg6[%dma_wait3A_149, %dma_wait3A_150] : memref<640x128xf32, #tpu.memory_space<vmem>> -> memref<128x128xf32, #tpu.memory_space<vmem>>
      %dma_wait3A_152 = tpu.memref_slice %arg5[%mul3A_148] : memref<25600xi32, #tpu.memory_space<vmem>> -> memref<128xi32, #tpu.memory_space<vmem>>
      %dma_wait3A_153 = arith.constant 0 : i32
      %dma_wait3A_154 = arith.constant 0 : i32
      %dma_wait3A_155 = tpu.memref_slice %arg2[%dma_wait3A_153, %dma_wait3A_154] : memref<512000x128xf32, #tpu.memory_space<hbm>> -> memref<512000x128xf32, #tpu.memory_space<hbm>>
      tpu.wait_indirect_dma semaphore(%arg9 : memref<!tpu.dma_semaphore, #tpu.memory_space<semaphore_mem>>) src(%dma_wait3A_155 : memref<512000x128xf32, #tpu.memory_space<hbm>>) dst(%dma_wait3A_151 : memref<128x128xf32, #tpu.memory_space<vmem>>)
      %mul3A_156 = arith.constant 128 : i32
      %mul3A_157 = arith.muli %add3A_146, %mul3A_156 : i32
      %add3A_158 = arith.addi %mul3A_2, %mul3A_157 : i32
      %dma_start3A_159 = arith.constant 256 : i32
      %dma_start3A_160 = arith.constant 0 : i32
      %dma_start3A_161 = tpu.memref_slice %arg6[%dma_start3A_159, %dma_start3A_160] : memref<640x128xf32, #tpu.memory_space<vmem>> -> memref<128x128xf32, #tpu.memory_space<vmem>>
      %dma_start3A_162 = arith.constant 0 : i32
      %dma_start3A_163 = tpu.memref_slice %arg4[%add3A_158, %dma_start3A_162] : memref<819200x128xf32, #tpu.memory_space<hbm>> -> memref<128x128xf32, #tpu.memory_space<hbm>>
      %dma_start3A_164 = arith.constant 0 : i32
      %dma_start3A_165 = tpu.memref_slice %arg4[%add3A_158, %dma_start3A_164] : memref<819200x128xf32, #tpu.memory_space<hbm>> -> memref<128x128xf32, #tpu.memory_space<hbm>>
      %dma_start3A_166 = arith.constant 256 : i32
      %dma_start3A_167 = arith.constant 0 : i32
      %dma_start3A_168 = tpu.memref_slice %arg6[%dma_start3A_166, %dma_start3A_167] : memref<640x128xf32, #tpu.memory_space<vmem>> -> memref<128x128xf32, #tpu.memory_space<vmem>>
      tpu.enqueue_dma source(%dma_start3A_168 : memref<128x128xf32, #tpu.memory_space<vmem>>) target(%dma_start3A_165 : memref<128x128xf32, #tpu.memory_space<hbm>>) target_semaphore(%arg14 : memref<!tpu.dma_semaphore, #tpu.memory_space<semaphore_mem>>)
      %add3A_169 = arith.constant 2 : i32
      %add3A_170 = arith.addi %add3A_146, %add3A_169 : i32
      %lt3A_171 = arith.constant 200 : i32
      %lt3A_172 = arith.cmpi slt, %add3A_170, %lt3A_171 : i32
      %convert_element_type3A_173 = arith.extui %lt3A_172 : i1 to i32
      %cond3A_174 = arith.constant 0 : i32
      %cond3A_175 = arith.cmpi ne, %convert_element_type3A_173, %cond3A_174 : i32
      scf.if %cond3A_175 {
        %add3A_238 = arith.constant 2 : i32
        %add3A_239 = arith.addi %add3A_146, %add3A_238 : i32
        %ge3A = arith.constant 5 : i32
        %ge3A_240 = arith.cmpi sge, %add3A_239, %ge3A : i32
        %convert_element_type3A_241 = arith.extui %ge3A_240 : i1 to i32
        %cond3A_242 = arith.constant 0 : i32
        %cond3A_243 = arith.cmpi ne, %convert_element_type3A_241, %cond3A_242 : i32
        scf.if %cond3A_243 {
          %add3A_255 = arith.constant 2 : i32
          %add3A_256 = arith.addi %add3A_146, %add3A_255 : i32
          %sub3A = arith.constant 5 : i32
          %sub3A_257 = arith.subi %add3A_256, %sub3A : i32
          %mul3A_258 = arith.constant 128 : i32
          %mul3A_259 = arith.muli %sub3A_257, %mul3A_258 : i32
          %add3A_260 = arith.addi %mul3A_2, %mul3A_259 : i32
          %dma_wait3A_261 = arith.constant 512 : i32
          %dma_wait3A_262 = arith.constant 0 : i32
          %dma_wait3A_263 = tpu.memref_slice %arg6[%dma_wait3A_261, %dma_wait3A_262] : memref<640x128xf32, #tpu.memory_space<vmem>> -> memref<128x128xf32, #tpu.memory_space<vmem>>
          %dma_wait3A_264 = arith.constant 0 : i32
          %dma_wait3A_265 = tpu.memref_slice %arg4[%add3A_260, %dma_wait3A_264] : memref<819200x128xf32, #tpu.memory_space<hbm>> -> memref<128x128xf32, #tpu.memory_space<hbm>>
          %dma_wait3A_266 = arith.constant 0 : i32
          %dma_wait3A_267 = tpu.memref_slice %arg4[%add3A_260, %dma_wait3A_266] : memref<819200x128xf32, #tpu.memory_space<hbm>> -> memref<128x128xf32, #tpu.memory_space<hbm>>
          %dma_wait3A_268 = arith.constant 512 : i32
          %dma_wait3A_269 = arith.constant 0 : i32
          %dma_wait3A_270 = tpu.memref_slice %arg6[%dma_wait3A_268, %dma_wait3A_269] : memref<640x128xf32, #tpu.memory_space<vmem>> -> memref<128x128xf32, #tpu.memory_space<vmem>>
          tpu.wait_dma2 semaphore(%arg16 : memref<!tpu.dma_semaphore, #tpu.memory_space<semaphore_mem>>) src(%dma_wait3A_270 : memref<128x128xf32, #tpu.memory_space<vmem>>) dst(%dma_wait3A_267 : memref<128x128xf32, #tpu.memory_space<hbm>>)
        } else {
        }
        %add3A_244 = arith.constant 2 : i32
        %add3A_245 = arith.addi %add3A_146, %add3A_244 : i32
        %mul3A_246 = arith.constant 128 : i32
        %mul3A_247 = arith.muli %add3A_245, %mul3A_246 : i32
        %dma_start3A_248 = arith.constant 512 : i32
        %dma_start3A_249 = arith.constant 0 : i32
        %dma_start3A_250 = tpu.memref_slice %arg6[%dma_start3A_248, %dma_start3A_249] : memref<640x128xf32, #tpu.memory_space<vmem>> -> memref<128x128xf32, #tpu.memory_space<vmem>>
        %dma_start3A_251 = tpu.memref_slice %arg5[%mul3A_247] : memref<25600xi32, #tpu.memory_space<vmem>> -> memref<128xi32, #tpu.memory_space<vmem>>
        %dma_start3A_252 = arith.constant 0 : i32
        %dma_start3A_253 = arith.constant 0 : i32
        %dma_start3A_254 = tpu.memref_slice %arg2[%dma_start3A_252, %dma_start3A_253] : memref<512000x128xf32, #tpu.memory_space<hbm>> -> memref<512000x128xf32, #tpu.memory_space<hbm>>
        tpu.enqueue_indirect_dma source(%dma_start3A_254 : memref<512000x128xf32, #tpu.memory_space<hbm>>) target(%dma_start3A_250 : memref<128x128xf32, #tpu.memory_space<vmem>>) offsets(%dma_start3A_251 : memref<128xi32, #tpu.memory_space<vmem>>) semaphore(%arg11 : memref<!tpu.dma_semaphore, #tpu.memory_space<semaphore_mem>>)
      } else {
      }
      %add3A_176 = arith.constant 3 : i32
      %add3A_177 = arith.addi %add3A_85, %add3A_176 : i32
      %mul3A_178 = arith.constant 128 : i32
      %mul3A_179 = arith.muli %add3A_177, %mul3A_178 : i32
      %dma_wait3A_180 = arith.constant 384 : i32
      %dma_wait3A_181 = arith.constant 0 : i32
      %dma_wait3A_182 = tpu.memref_slice %arg6[%dma_wait3A_180, %dma_wait3A_181] : memref<640x128xf32, #tpu.memory_space<vmem>> -> memref<128x128xf32, #tpu.memory_space<vmem>>
      %dma_wait3A_183 = tpu.memref_slice %arg5[%mul3A_179] : memref<25600xi32, #tpu.memory_space<vmem>> -> memref<128xi32, #tpu.memory_space<vmem>>
      %dma_wait3A_184 = arith.constant 0 : i32
      %dma_wait3A_185 = arith.constant 0 : i32
      %dma_wait3A_186 = tpu.memref_slice %arg2[%dma_wait3A_184, %dma_wait3A_185] : memref<512000x128xf32, #tpu.memory_space<hbm>> -> memref<512000x128xf32, #tpu.memory_space<hbm>>
      tpu.wait_indirect_dma semaphore(%arg10 : memref<!tpu.dma_semaphore, #tpu.memory_space<semaphore_mem>>) src(%dma_wait3A_186 : memref<512000x128xf32, #tpu.memory_space<hbm>>) dst(%dma_wait3A_182 : memref<128x128xf32, #tpu.memory_space<vmem>>)
      %mul3A_187 = arith.constant 128 : i32
      %mul3A_188 = arith.muli %add3A_177, %mul3A_187 : i32
      %add3A_189 = arith.addi %mul3A_2, %mul3A_188 : i32
      %dma_start3A_190 = arith.constant 384 : i32
      %dma_start3A_191 = arith.constant 0 : i32
      %dma_start3A_192 = tpu.memref_slice %arg6[%dma_start3A_190, %dma_start3A_191] : memref<640x128xf32, #tpu.memory_space<vmem>> -> memref<128x128xf32, #tpu.memory_space<vmem>>
      %dma_start3A_193 = arith.constant 0 : i32
      %dma_start3A_194 = tpu.memref_slice %arg4[%add3A_189, %dma_start3A_193] : memref<819200x128xf32, #tpu.memory_space<hbm>> -> memref<128x128xf32, #tpu.memory_space<hbm>>
      %dma_start3A_195 = arith.constant 0 : i32
      %dma_start3A_196 = tpu.memref_slice %arg4[%add3A_189, %dma_start3A_195] : memref<819200x128xf32, #tpu.memory_space<hbm>> -> memref<128x128xf32, #tpu.memory_space<hbm>>
      %dma_start3A_197 = arith.constant 384 : i32
      %dma_start3A_198 = arith.constant 0 : i32
      %dma_start3A_199 = tpu.memref_slice %arg6[%dma_start3A_197, %dma_start3A_198] : memref<640x128xf32, #tpu.memory_space<vmem>> -> memref<128x128xf32, #tpu.memory_space<vmem>>
      tpu.enqueue_dma source(%dma_start3A_199 : memref<128x128xf32, #tpu.memory_space<vmem>>) target(%dma_start3A_196 : memref<128x128xf32, #tpu.memory_space<hbm>>) target_semaphore(%arg15 : memref<!tpu.dma_semaphore, #tpu.memory_space<semaphore_mem>>)
      %add3A_200 = arith.constant 2 : i32
      %add3A_201 = arith.addi %add3A_177, %add3A_200 : i32
      %lt3A_202 = arith.constant 200 : i32
      %lt3A_203 = arith.cmpi slt, %add3A_201, %lt3A_202 : i32
      %convert_element_type3A_204 = arith.extui %lt3A_203 : i1 to i32
      %cond3A_205 = arith.constant 0 : i32
      %cond3A_206 = arith.cmpi ne, %convert_element_type3A_204, %cond3A_205 : i32
      scf.if %cond3A_206 {
        %add3A_238 = arith.constant 2 : i32
        %add3A_239 = arith.addi %add3A_177, %add3A_238 : i32
        %ge3A = arith.constant 5 : i32
        %ge3A_240 = arith.cmpi sge, %add3A_239, %ge3A : i32
        %convert_element_type3A_241 = arith.extui %ge3A_240 : i1 to i32
        %cond3A_242 = arith.constant 0 : i32
        %cond3A_243 = arith.cmpi ne, %convert_element_type3A_241, %cond3A_242 : i32
        scf.if %cond3A_243 {
          %add3A_255 = arith.constant 2 : i32
          %add3A_256 = arith.addi %add3A_177, %add3A_255 : i32
          %sub3A = arith.constant 5 : i32
          %sub3A_257 = arith.subi %add3A_256, %sub3A : i32
          %mul3A_258 = arith.constant 128 : i32
          %mul3A_259 = arith.muli %sub3A_257, %mul3A_258 : i32
          %add3A_260 = arith.addi %mul3A_2, %mul3A_259 : i32
          %dma_wait3A_261 = arith.constant 0 : i32
          %dma_wait3A_262 = arith.constant 0 : i32
          %dma_wait3A_263 = tpu.memref_slice %arg6[%dma_wait3A_261, %dma_wait3A_262] : memref<640x128xf32, #tpu.memory_space<vmem>> -> memref<128x128xf32, #tpu.memory_space<vmem>>
          %dma_wait3A_264 = arith.constant 0 : i32
          %dma_wait3A_265 = tpu.memref_slice %arg4[%add3A_260, %dma_wait3A_264] : memref<819200x128xf32, #tpu.memory_space<hbm>> -> memref<128x128xf32, #tpu.memory_space<hbm>>
          %dma_wait3A_266 = arith.constant 0 : i32
          %dma_wait3A_267 = tpu.memref_slice %arg4[%add3A_260, %dma_wait3A_266] : memref<819200x128xf32, #tpu.memory_space<hbm>> -> memref<128x128xf32, #tpu.memory_space<hbm>>
          %dma_wait3A_268 = arith.constant 0 : i32
          %dma_wait3A_269 = arith.constant 0 : i32
          %dma_wait3A_270 = tpu.memref_slice %arg6[%dma_wait3A_268, %dma_wait3A_269] : memref<640x128xf32, #tpu.memory_space<vmem>> -> memref<128x128xf32, #tpu.memory_space<vmem>>
          tpu.wait_dma2 semaphore(%arg12 : memref<!tpu.dma_semaphore, #tpu.memory_space<semaphore_mem>>) src(%dma_wait3A_270 : memref<128x128xf32, #tpu.memory_space<vmem>>) dst(%dma_wait3A_267 : memref<128x128xf32, #tpu.memory_space<hbm>>)
        } else {
        }
        %add3A_244 = arith.constant 2 : i32
        %add3A_245 = arith.addi %add3A_177, %add3A_244 : i32
        %mul3A_246 = arith.constant 128 : i32
        %mul3A_247 = arith.muli %add3A_245, %mul3A_246 : i32
        %dma_start3A_248 = arith.constant 0 : i32
        %dma_start3A_249 = arith.constant 0 : i32
        %dma_start3A_250 = tpu.memref_slice %arg6[%dma_start3A_248, %dma_start3A_249] : memref<640x128xf32, #tpu.memory_space<vmem>> -> memref<128x128xf32, #tpu.memory_space<vmem>>
        %dma_start3A_251 = tpu.memref_slice %arg5[%mul3A_247] : memref<25600xi32, #tpu.memory_space<vmem>> -> memref<128xi32, #tpu.memory_space<vmem>>
        %dma_start3A_252 = arith.constant 0 : i32
        %dma_start3A_253 = arith.constant 0 : i32
        %dma_start3A_254 = tpu.memref_slice %arg2[%dma_start3A_252, %dma_start3A_253] : memref<512000x128xf32, #tpu.memory_space<hbm>> -> memref<512000x128xf32, #tpu.memory_space<hbm>>
        tpu.enqueue_indirect_dma source(%dma_start3A_254 : memref<512000x128xf32, #tpu.memory_space<hbm>>) target(%dma_start3A_250 : memref<128x128xf32, #tpu.memory_space<vmem>>) offsets(%dma_start3A_251 : memref<128xi32, #tpu.memory_space<vmem>>) semaphore(%arg7 : memref<!tpu.dma_semaphore, #tpu.memory_space<semaphore_mem>>)
      } else {
      }
      %add3A_207 = arith.constant 4 : i32
      %add3A_208 = arith.addi %add3A_85, %add3A_207 : i32
      %mul3A_209 = arith.constant 128 : i32
      %mul3A_210 = arith.muli %add3A_208, %mul3A_209 : i32
      %dma_wait3A_211 = arith.constant 512 : i32
      %dma_wait3A_212 = arith.constant 0 : i32
      %dma_wait3A_213 = tpu.memref_slice %arg6[%dma_wait3A_211, %dma_wait3A_212] : memref<640x128xf32, #tpu.memory_space<vmem>> -> memref<128x128xf32, #tpu.memory_space<vmem>>
      %dma_wait3A_214 = tpu.memref_slice %arg5[%mul3A_210] : memref<25600xi32, #tpu.memory_space<vmem>> -> memref<128xi32, #tpu.memory_space<vmem>>
      %dma_wait3A_215 = arith.constant 0 : i32
      %dma_wait3A_216 = arith.constant 0 : i32
      %dma_wait3A_217 = tpu.memref_slice %arg2[%dma_wait3A_215, %dma_wait3A_216] : memref<512000x128xf32, #tpu.memory_space<hbm>> -> memref<512000x128xf32, #tpu.memory_space<hbm>>
      tpu.wait_indirect_dma semaphore(%arg11 : memref<!tpu.dma_semaphore, #tpu.memory_space<semaphore_mem>>) src(%dma_wait3A_217 : memref<512000x128xf32, #tpu.memory_space<hbm>>) dst(%dma_wait3A_213 : memref<128x128xf32, #tpu.memory_space<vmem>>)
      %mul3A_218 = arith.constant 128 : i32
      %mul3A_219 = arith.muli %add3A_208, %mul3A_218 : i32
      %add3A_220 = arith.addi %mul3A_2, %mul3A_219 : i32
      %dma_start3A_221 = arith.constant 512 : i32
      %dma_start3A_222 = arith.constant 0 : i32
      %dma_start3A_223 = tpu.memref_slice %arg6[%dma_start3A_221, %dma_start3A_222] : memref<640x128xf32, #tpu.memory_space<vmem>> -> memref<128x128xf32, #tpu.memory_space<vmem>>
      %dma_start3A_224 = arith.constant 0 : i32
      %dma_start3A_225 = tpu.memref_slice %arg4[%add3A_220, %dma_start3A_224] : memref<819200x128xf32, #tpu.memory_space<hbm>> -> memref<128x128xf32, #tpu.memory_space<hbm>>
      %dma_start3A_226 = arith.constant 0 : i32
      %dma_start3A_227 = tpu.memref_slice %arg4[%add3A_220, %dma_start3A_226] : memref<819200x128xf32, #tpu.memory_space<hbm>> -> memref<128x128xf32, #tpu.memory_space<hbm>>
      %dma_start3A_228 = arith.constant 512 : i32
      %dma_start3A_229 = arith.constant 0 : i32
      %dma_start3A_230 = tpu.memref_slice %arg6[%dma_start3A_228, %dma_start3A_229] : memref<640x128xf32, #tpu.memory_space<vmem>> -> memref<128x128xf32, #tpu.memory_space<vmem>>
      tpu.enqueue_dma source(%dma_start3A_230 : memref<128x128xf32, #tpu.memory_space<vmem>>) target(%dma_start3A_227 : memref<128x128xf32, #tpu.memory_space<hbm>>) target_semaphore(%arg16 : memref<!tpu.dma_semaphore, #tpu.memory_space<semaphore_mem>>)
      %add3A_231 = arith.constant 2 : i32
      %add3A_232 = arith.addi %add3A_208, %add3A_231 : i32
      %lt3A_233 = arith.constant 200 : i32
      %lt3A_234 = arith.cmpi slt, %add3A_232, %lt3A_233 : i32
      %convert_element_type3A_235 = arith.extui %lt3A_234 : i1 to i32
      %cond3A_236 = arith.constant 0 : i32
      %cond3A_237 = arith.cmpi ne, %convert_element_type3A_235, %cond3A_236 : i32
      scf.if %cond3A_237 {
        %add3A_238 = arith.constant 2 : i32
        %add3A_239 = arith.addi %add3A_208, %add3A_238 : i32
        %ge3A = arith.constant 5 : i32
        %ge3A_240 = arith.cmpi sge, %add3A_239, %ge3A : i32
        %convert_element_type3A_241 = arith.extui %ge3A_240 : i1 to i32
        %cond3A_242 = arith.constant 0 : i32
        %cond3A_243 = arith.cmpi ne, %convert_element_type3A_241, %cond3A_242 : i32
        scf.if %cond3A_243 {
          %add3A_255 = arith.constant 2 : i32
          %add3A_256 = arith.addi %add3A_208, %add3A_255 : i32
          %sub3A = arith.constant 5 : i32
          %sub3A_257 = arith.subi %add3A_256, %sub3A : i32
          %mul3A_258 = arith.constant 128 : i32
          %mul3A_259 = arith.muli %sub3A_257, %mul3A_258 : i32
          %add3A_260 = arith.addi %mul3A_2, %mul3A_259 : i32
          %dma_wait3A_261 = arith.constant 128 : i32
          %dma_wait3A_262 = arith.constant 0 : i32
          %dma_wait3A_263 = tpu.memref_slice %arg6[%dma_wait3A_261, %dma_wait3A_262] : memref<640x128xf32, #tpu.memory_space<vmem>> -> memref<128x128xf32, #tpu.memory_space<vmem>>
          %dma_wait3A_264 = arith.constant 0 : i32
          %dma_wait3A_265 = tpu.memref_slice %arg4[%add3A_260, %dma_wait3A_264] : memref<819200x128xf32, #tpu.memory_space<hbm>> -> memref<128x128xf32, #tpu.memory_space<hbm>>
          %dma_wait3A_266 = arith.constant 0 : i32
          %dma_wait3A_267 = tpu.memref_slice %arg4[%add3A_260, %dma_wait3A_266] : memref<819200x128xf32, #tpu.memory_space<hbm>> -> memref<128x128xf32, #tpu.memory_space<hbm>>
          %dma_wait3A_268 = arith.constant 128 : i32
          %dma_wait3A_269 = arith.constant 0 : i32
          %dma_wait3A_270 = tpu.memref_slice %arg6[%dma_wait3A_268, %dma_wait3A_269] : memref<640x128xf32, #tpu.memory_space<vmem>> -> memref<128x128xf32, #tpu.memory_space<vmem>>
          tpu.wait_dma2 semaphore(%arg13 : memref<!tpu.dma_semaphore, #tpu.memory_space<semaphore_mem>>) src(%dma_wait3A_270 : memref<128x128xf32, #tpu.memory_space<vmem>>) dst(%dma_wait3A_267 : memref<128x128xf32, #tpu.memory_space<hbm>>)
        } else {
        }
        %add3A_244 = arith.constant 2 : i32
        %add3A_245 = arith.addi %add3A_208, %add3A_244 : i32
        %mul3A_246 = arith.constant 128 : i32
        %mul3A_247 = arith.muli %add3A_245, %mul3A_246 : i32
        %dma_start3A_248 = arith.constant 128 : i32
        %dma_start3A_249 = arith.constant 0 : i32
        %dma_start3A_250 = tpu.memref_slice %arg6[%dma_start3A_248, %dma_start3A_249] : memref<640x128xf32, #tpu.memory_space<vmem>> -> memref<128x128xf32, #tpu.memory_space<vmem>>
        %dma_start3A_251 = tpu.memref_slice %arg5[%mul3A_247] : memref<25600xi32, #tpu.memory_space<vmem>> -> memref<128xi32, #tpu.memory_space<vmem>>
        %dma_start3A_252 = arith.constant 0 : i32
        %dma_start3A_253 = arith.constant 0 : i32
        %dma_start3A_254 = tpu.memref_slice %arg2[%dma_start3A_252, %dma_start3A_253] : memref<512000x128xf32, #tpu.memory_space<hbm>> -> memref<512000x128xf32, #tpu.memory_space<hbm>>
        tpu.enqueue_indirect_dma source(%dma_start3A_254 : memref<512000x128xf32, #tpu.memory_space<hbm>>) target(%dma_start3A_250 : memref<128x128xf32, #tpu.memory_space<vmem>>) offsets(%dma_start3A_251 : memref<128xi32, #tpu.memory_space<vmem>>) semaphore(%arg8 : memref<!tpu.dma_semaphore, #tpu.memory_space<semaphore_mem>>)
      } else {
      }
    }
    %scan3A_21 = arith.constant 40 : i32
    %add3A_22 = arith.constant 24960 : i32
    %add3A_23 = arith.addi %mul3A_2, %add3A_22 : i32
    %dma_wait3A = arith.constant 0 : i32
    %dma_wait3A_24 = arith.constant 0 : i32
    %dma_wait3A_25 = tpu.memref_slice %arg6[%dma_wait3A, %dma_wait3A_24] : memref<640x128xf32, #tpu.memory_space<vmem>> -> memref<128x128xf32, #tpu.memory_space<vmem>>
    %dma_wait3A_26 = arith.constant 0 : i32
    %dma_wait3A_27 = tpu.memref_slice %arg4[%add3A_23, %dma_wait3A_26] : memref<819200x128xf32, #tpu.memory_space<hbm>> -> memref<128x128xf32, #tpu.memory_space<hbm>>
    %dma_wait3A_28 = arith.constant 0 : i32
    %dma_wait3A_29 = tpu.memref_slice %arg4[%add3A_23, %dma_wait3A_28] : memref<819200x128xf32, #tpu.memory_space<hbm>> -> memref<128x128xf32, #tpu.memory_space<hbm>>
    %dma_wait3A_30 = arith.constant 0 : i32
    %dma_wait3A_31 = arith.constant 0 : i32
    %dma_wait3A_32 = tpu.memref_slice %arg6[%dma_wait3A_30, %dma_wait3A_31] : memref<640x128xf32, #tpu.memory_space<vmem>> -> memref<128x128xf32, #tpu.memory_space<vmem>>
    tpu.wait_dma2 semaphore(%arg12 : memref<!tpu.dma_semaphore, #tpu.memory_space<semaphore_mem>>) src(%dma_wait3A_32 : memref<128x128xf32, #tpu.memory_space<vmem>>) dst(%dma_wait3A_29 : memref<128x128xf32, #tpu.memory_space<hbm>>)
    %add3A_33 = arith.constant 25088 : i32
    %add3A_34 = arith.addi %mul3A_2, %add3A_33 : i32
    %dma_wait3A_35 = arith.constant 128 : i32
    %dma_wait3A_36 = arith.constant 0 : i32
    %dma_wait3A_37 = tpu.memref_slice %arg6[%dma_wait3A_35, %dma_wait3A_36] : memref<640x128xf32, #tpu.memory_space<vmem>> -> memref<128x128xf32, #tpu.memory_space<vmem>>
    %dma_wait3A_38 = arith.constant 0 : i32
    %dma_wait3A_39 = tpu.memref_slice %arg4[%add3A_34, %dma_wait3A_38] : memref<819200x128xf32, #tpu.memory_space<hbm>> -> memref<128x128xf32, #tpu.memory_space<hbm>>
    %dma_wait3A_40 = arith.constant 0 : i32
    %dma_wait3A_41 = tpu.memref_slice %arg4[%add3A_34, %dma_wait3A_40] : memref<819200x128xf32, #tpu.memory_space<hbm>> -> memref<128x128xf32, #tpu.memory_space<hbm>>
    %dma_wait3A_42 = arith.constant 128 : i32
    %dma_wait3A_43 = arith.constant 0 : i32
    %dma_wait3A_44 = tpu.memref_slice %arg6[%dma_wait3A_42, %dma_wait3A_43] : memref<640x128xf32, #tpu.memory_space<vmem>> -> memref<128x128xf32, #tpu.memory_space<vmem>>
    tpu.wait_dma2 semaphore(%arg13 : memref<!tpu.dma_semaphore, #tpu.memory_space<semaphore_mem>>) src(%dma_wait3A_44 : memref<128x128xf32, #tpu.memory_space<vmem>>) dst(%dma_wait3A_41 : memref<128x128xf32, #tpu.memory_space<hbm>>)
    %add3A_45 = arith.constant 25216 : i32
    %add3A_46 = arith.addi %mul3A_2, %add3A_45 : i32
    %dma_wait3A_47 = arith.constant 256 : i32
    %dma_wait3A_48 = arith.constant 0 : i32
    %dma_wait3A_49 = tpu.memref_slice %arg6[%dma_wait3A_47, %dma_wait3A_48] : memref<640x128xf32, #tpu.memory_space<vmem>> -> memref<128x128xf32, #tpu.memory_space<vmem>>
    %dma_wait3A_50 = arith.constant 0 : i32
    %dma_wait3A_51 = tpu.memref_slice %arg4[%add3A_46, %dma_wait3A_50] : memref<819200x128xf32, #tpu.memory_space<hbm>> -> memref<128x128xf32, #tpu.memory_space<hbm>>
    %dma_wait3A_52 = arith.constant 0 : i32
    %dma_wait3A_53 = tpu.memref_slice %arg4[%add3A_46, %dma_wait3A_52] : memref<819200x128xf32, #tpu.memory_space<hbm>> -> memref<128x128xf32, #tpu.memory_space<hbm>>
    %dma_wait3A_54 = arith.constant 256 : i32
    %dma_wait3A_55 = arith.constant 0 : i32
    %dma_wait3A_56 = tpu.memref_slice %arg6[%dma_wait3A_54, %dma_wait3A_55] : memref<640x128xf32, #tpu.memory_space<vmem>> -> memref<128x128xf32, #tpu.memory_space<vmem>>
    tpu.wait_dma2 semaphore(%arg14 : memref<!tpu.dma_semaphore, #tpu.memory_space<semaphore_mem>>) src(%dma_wait3A_56 : memref<128x128xf32, #tpu.memory_space<vmem>>) dst(%dma_wait3A_53 : memref<128x128xf32, #tpu.memory_space<hbm>>)
    %add3A_57 = arith.constant 25344 : i32
    %add3A_58 = arith.addi %mul3A_2, %add3A_57 : i32
    %dma_wait3A_59 = arith.constant 384 : i32
    %dma_wait3A_60 = arith.constant 0 : i32
    %dma_wait3A_61 = tpu.memref_slice %arg6[%dma_wait3A_59, %dma_wait3A_60] : memref<640x128xf32, #tpu.memory_space<vmem>> -> memref<128x128xf32, #tpu.memory_space<vmem>>
    %dma_wait3A_62 = arith.constant 0 : i32
    %dma_wait3A_63 = tpu.memref_slice %arg4[%add3A_58, %dma_wait3A_62] : memref<819200x128xf32, #tpu.memory_space<hbm>> -> memref<128x128xf32, #tpu.memory_space<hbm>>
    %dma_wait3A_64 = arith.constant 0 : i32
    %dma_wait3A_65 = tpu.memref_slice %arg4[%add3A_58, %dma_wait3A_64] : memref<819200x128xf32, #tpu.memory_space<hbm>> -> memref<128x128xf32, #tpu.memory_space<hbm>>
    %dma_wait3A_66 = arith.constant 384 : i32
    %dma_wait3A_67 = arith.constant 0 : i32
    %dma_wait3A_68 = tpu.memref_slice %arg6[%dma_wait3A_66, %dma_wait3A_67] : memref<640x128xf32, #tpu.memory_space<vmem>> -> memref<128x128xf32, #tpu.memory_space<vmem>>
    tpu.wait_dma2 semaphore(%arg15 : memref<!tpu.dma_semaphore, #tpu.memory_space<semaphore_mem>>) src(%dma_wait3A_68 : memref<128x128xf32, #tpu.memory_space<vmem>>) dst(%dma_wait3A_65 : memref<128x128xf32, #tpu.memory_space<hbm>>)
    %add3A_69 = arith.constant 25472 : i32
    %add3A_70 = arith.addi %mul3A_2, %add3A_69 : i32
    %dma_wait3A_71 = arith.constant 512 : i32
    %dma_wait3A_72 = arith.constant 0 : i32
    %dma_wait3A_73 = tpu.memref_slice %arg6[%dma_wait3A_71, %dma_wait3A_72] : memref<640x128xf32, #tpu.memory_space<vmem>> -> memref<128x128xf32, #tpu.memory_space<vmem>>
    %dma_wait3A_74 = arith.constant 0 : i32
    %dma_wait3A_75 = tpu.memref_slice %arg4[%add3A_70, %dma_wait3A_74] : memref<819200x128xf32, #tpu.memory_space<hbm>> -> memref<128x128xf32, #tpu.memory_space<hbm>>
    %dma_wait3A_76 = arith.constant 0 : i32
    %dma_wait3A_77 = tpu.memref_slice %arg4[%add3A_70, %dma_wait3A_76] : memref<819200x128xf32, #tpu.memory_space<hbm>> -> memref<128x128xf32, #tpu.memory_space<hbm>>
    %dma_wait3A_78 = arith.constant 512 : i32
    %dma_wait3A_79 = arith.constant 0 : i32
    %dma_wait3A_80 = tpu.memref_slice %arg6[%dma_wait3A_78, %dma_wait3A_79] : memref<640x128xf32, #tpu.memory_space<vmem>> -> memref<128x128xf32, #tpu.memory_space<vmem>>
    tpu.wait_dma2 semaphore(%arg16 : memref<!tpu.dma_semaphore, #tpu.memory_space<semaphore_mem>>) src(%dma_wait3A_80 : memref<128x128xf32, #tpu.memory_space<vmem>>) dst(%dma_wait3A_77 : memref<128x128xf32, #tpu.memory_space<hbm>>)
    return
  }
}

module attributes {stable_mosaic.version = 14 : i64} {
  func.func @_tc0_body(%arg0: i32, %arg1: memref<64x12800xf32, #tpu.memory_space<vmem>>, %arg2: memref<64x12800xf32, #tpu.memory_space<vmem>>, %arg3: memref<12800x128xf32, #tpu.memory_space<vmem>>) attributes {dimension_semantics = [#tpu.dimension_semantics<arbitrary>], iteration_bounds = array<i64: 40>, scalar_prefetch = 0 : i64, scratch_operands = 0 : i64, tpu.core_type = #tpu.core_type<tc>, window_params = [{transform_indices = @transform_0, window_bounds = array<i64: 64, 12800>}, {transform_indices = @transform_1, window_bounds = array<i64: 64, 12800>}, {transform_indices = @transform_2, window_bounds = array<i64: 12800, 128>}]} {
    %get3A = arith.constant 0 : index
    %get3A_0 = arith.constant 0 : index
    %get3A_1 = vector.load %arg1[%get3A, %get3A_0] : memref<64x12800xf32, #tpu.memory_space<vmem>>, vector<64x12800xf32>
    %transpose3A = tpu.transpose %get3A_1, [1, 0] : vector<64x12800xf32> -> vector<12800x64xf32>
    %swap3A = arith.constant 0 : index
    %swap3A_2 = arith.constant 0 : index
    %swap3A_3 = vector.load %arg3[%swap3A, %swap3A_2] : memref<12800x128xf32, #tpu.memory_space<vmem>>, vector<12800x64xf32>
    tpu.vector_store %arg3[%swap3A, %swap3A_2], %transpose3A {strides = array<i32>} : memref<12800x128xf32, #tpu.memory_space<vmem>>, vector<12800x64xf32>,
    %get3A_4 = arith.constant 0 : index
    %get3A_5 = arith.constant 0 : index
    %get3A_6 = vector.load %arg2[%get3A_4, %get3A_5] : memref<64x12800xf32, #tpu.memory_space<vmem>>, vector<64x12800xf32>
    %transpose3A_7 = tpu.transpose %get3A_6, [1, 0] : vector<64x12800xf32> -> vector<12800x64xf32>
    %swap3A_8 = arith.constant 0 : index
    %swap3A_9 = arith.constant 64 : index
    %swap3A_10 = vector.load %arg3[%swap3A_8, %swap3A_9] : memref<12800x128xf32, #tpu.memory_space<vmem>>, vector<12800x64xf32>
    tpu.vector_store %arg3[%swap3A_8, %swap3A_9], %transpose3A_7 {strides = array<i32>} : memref<12800x128xf32, #tpu.memory_space<vmem>>, vector<12800x64xf32>,
    return
  }
  func.func @transform_0(%arg0: i32) -> (i32, i32) {
    %c0_i32 = arith.constant 0 : i32
    %c0_i32_0 = arith.constant 0 : i32
    return %c0_i32, %arg0 : i32, i32
  }
  func.func @transform_1(%arg0: i32) -> (i32, i32) {
    %add3A = arith.constant 40 : i32
    %add3A_0 = arith.addi %add3A, %arg0 : i32
    %min3A = arith.constant 78 : i32
    %min3A_1 = arith.minsi %add3A_0, %min3A : i32
    %c0_i32 = arith.constant 0 : i32
    %c0_i32_2 = arith.constant 0 : i32
    return %c0_i32, %min3A_1 : i32, i32
  }
  func.func @transform_2(%arg0: i32) -> (i32, i32) {
    %c0_i32 = arith.constant 0 : i32
    %c0_i32_0 = arith.constant 0 : i32
    return %arg0, %c0_i32 : i32, i32
  }
}

module attributes {stable_mosaic.version = 14 : i64} {
  func.func @_tc2_body(%arg0: i32, %arg1: i32, %arg2: memref<8x1024x128xf32, #tpu.memory_space<vmem>>, %arg3: memref<8x1024xi32, #tpu.memory_space<vmem>>, %arg4: memref<8x64x1024xf32, #tpu.memory_space<vmem>>) attributes {dimension_semantics = [#tpu.dimension_semantics<arbitrary>, #tpu.dimension_semantics<arbitrary>], iteration_bounds = array<i64: 25, 4>, scalar_prefetch = 0 : i64, scratch_operands = 0 : i64, tpu.core_type = #tpu.core_type<tc>, window_params = [{transform_indices = @transform_0, window_bounds = array<i64: 8, 1024, 128>}, {transform_indices = @transform_1, window_bounds = array<i64: 8, 1024>}, {transform_indices = @transform_2, window_bounds = array<i64: 8, 64, 1024>}]} {
    %get3A = arith.constant 0 : index
    %get3A_0 = arith.constant 0 : index
    %get3A_1 = arith.constant 0 : index
    %get3A_2 = vector.load %arg2[%get3A, %get3A_0, %get3A_1] : memref<8x1024x128xf32, #tpu.memory_space<vmem>>, vector<1x1024x128xf32>
    %get3A_3 = vector.shape_cast %get3A_2 : vector<1x1024x128xf32> to vector<1024x128xf32>
    %transpose3A = tpu.transpose %get3A_3, [1, 0] : vector<1024x128xf32> -> vector<128x1024xf32>
    %get3A_4 = arith.constant 0 : index
    %get3A_5 = arith.constant 0 : index
    %get3A_6 = vector.load %arg3[%get3A_4, %get3A_5] : memref<8x1024xi32, #tpu.memory_space<vmem>>, vector<1x1024xi32>
    %ge3A = arith.constant 512000 : i32
    %ge3A_7 = vector.broadcast %ge3A : i32 to vector<1x1024xi32>
    %ge3A_8 = arith.cmpi sge, %get3A_6, %ge3A_7 : vector<1x1024xi32>
    %slice3A = vector.extract_strided_slice %transpose3A {offsets = [64, 0], sizes = [64, 1024], strides = [1, 1]} : vector<128x1024xf32> to vector<64x1024xf32>
    %slice3A_9 = vector.extract_strided_slice %transpose3A {offsets = [0, 0], sizes = [64, 1024], strides = [1, 1]} : vector<128x1024xf32> to vector<64x1024xf32>
    %broadcast_in_dim3A = vector.shape_cast %ge3A_8 : vector<1x1024xi1> to vector<1x1024xi1>
    %broadcast_in_dim3A_10 = vector.broadcast %broadcast_in_dim3A : vector<1x1024xi1> to vector<64x1024xi1>
    %select_n3A = arith.select %broadcast_in_dim3A_10, %slice3A, %slice3A_9 : vector<64x1024xi1>, vector<64x1024xf32>
    %max3A = arith.constant 0.000000e+00 : f32
    %max3A_11 = vector.broadcast %max3A : f32 to vector<64x1024xf32>
    %max3A_12 = arith.maximumf %select_n3A, %max3A_11 : vector<64x1024xf32>
    %swap3A = arith.constant 0 : index
    %swap3A_13 = arith.constant 0 : index
    %swap3A_14 = arith.constant 0 : index
    %swap3A_15 = vector.load %arg4[%swap3A, %swap3A_13, %swap3A_14] : memref<8x64x1024xf32, #tpu.memory_space<vmem>>, vector<1x64x1024xf32>
    %swap3A_16 = vector.shape_cast %swap3A_15 : vector<1x64x1024xf32> to vector<64x1024xf32>
    %swap3A_17 = vector.shape_cast %max3A_12 : vector<64x1024xf32> to vector<1x64x1024xf32>
    tpu.vector_store %arg4[%swap3A, %swap3A_13, %swap3A_14], %swap3A_17 {strides = array<i32>} : memref<8x64x1024xf32, #tpu.memory_space<vmem>>, vector<1x64x1024xf32>,
    %get3A_18 = arith.constant 1 : index
    %get3A_19 = arith.constant 0 : index
    %get3A_20 = arith.constant 0 : index
    %get3A_21 = vector.load %arg2[%get3A_18, %get3A_19, %get3A_20] : memref<8x1024x128xf32, #tpu.memory_space<vmem>>, vector<1x1024x128xf32>
    %get3A_22 = vector.shape_cast %get3A_21 : vector<1x1024x128xf32> to vector<1024x128xf32>
    %transpose3A_23 = tpu.transpose %get3A_22, [1, 0] : vector<1024x128xf32> -> vector<128x1024xf32>
    %get3A_24 = arith.constant 1 : index
    %get3A_25 = arith.constant 0 : index
    %get3A_26 = vector.load %arg3[%get3A_24, %get3A_25] : memref<8x1024xi32, #tpu.memory_space<vmem>>, vector<1x1024xi32>
    %ge3A_27 = arith.constant 512000 : i32
    %ge3A_28 = vector.broadcast %ge3A_27 : i32 to vector<1x1024xi32>
    %ge3A_29 = arith.cmpi sge, %get3A_26, %ge3A_28 : vector<1x1024xi32>
    %slice3A_30 = vector.extract_strided_slice %transpose3A_23 {offsets = [64, 0], sizes = [64, 1024], strides = [1, 1]} : vector<128x1024xf32> to vector<64x1024xf32>
    %slice3A_31 = vector.extract_strided_slice %transpose3A_23 {offsets = [0, 0], sizes = [64, 1024], strides = [1, 1]} : vector<128x1024xf32> to vector<64x1024xf32>
    %broadcast_in_dim3A_32 = vector.shape_cast %ge3A_29 : vector<1x1024xi1> to vector<1x1024xi1>
    %broadcast_in_dim3A_33 = vector.broadcast %broadcast_in_dim3A_32 : vector<1x1024xi1> to vector<64x1024xi1>
    %select_n3A_34 = arith.select %broadcast_in_dim3A_33, %slice3A_30, %slice3A_31 : vector<64x1024xi1>, vector<64x1024xf32>
    %max3A_35 = arith.constant 0.000000e+00 : f32
    %max3A_36 = vector.broadcast %max3A_35 : f32 to vector<64x1024xf32>
    %max3A_37 = arith.maximumf %select_n3A_34, %max3A_36 : vector<64x1024xf32>
    %swap3A_38 = arith.constant 1 : index
    %swap3A_39 = arith.constant 0 : index
    %swap3A_40 = arith.constant 0 : index
    %swap3A_41 = vector.load %arg4[%swap3A_38, %swap3A_39, %swap3A_40] : memref<8x64x1024xf32, #tpu.memory_space<vmem>>, vector<1x64x1024xf32>
    %swap3A_42 = vector.shape_cast %swap3A_41 : vector<1x64x1024xf32> to vector<64x1024xf32>
    %swap3A_43 = vector.shape_cast %max3A_37 : vector<64x1024xf32> to vector<1x64x1024xf32>
    tpu.vector_store %arg4[%swap3A_38, %swap3A_39, %swap3A_40], %swap3A_43 {strides = array<i32>} : memref<8x64x1024xf32, #tpu.memory_space<vmem>>, vector<1x64x1024xf32>,
    %get3A_44 = arith.constant 2 : index
    %get3A_45 = arith.constant 0 : index
    %get3A_46 = arith.constant 0 : index
    %get3A_47 = vector.load %arg2[%get3A_44, %get3A_45, %get3A_46] : memref<8x1024x128xf32, #tpu.memory_space<vmem>>, vector<1x1024x128xf32>
    %get3A_48 = vector.shape_cast %get3A_47 : vector<1x1024x128xf32> to vector<1024x128xf32>
    %transpose3A_49 = tpu.transpose %get3A_48, [1, 0] : vector<1024x128xf32> -> vector<128x1024xf32>
    %get3A_50 = arith.constant 2 : index
    %get3A_51 = arith.constant 0 : index
    %get3A_52 = vector.load %arg3[%get3A_50, %get3A_51] : memref<8x1024xi32, #tpu.memory_space<vmem>>, vector<1x1024xi32>
    %ge3A_53 = arith.constant 512000 : i32
    %ge3A_54 = vector.broadcast %ge3A_53 : i32 to vector<1x1024xi32>
    %ge3A_55 = arith.cmpi sge, %get3A_52, %ge3A_54 : vector<1x1024xi32>
    %slice3A_56 = vector.extract_strided_slice %transpose3A_49 {offsets = [64, 0], sizes = [64, 1024], strides = [1, 1]} : vector<128x1024xf32> to vector<64x1024xf32>
    %slice3A_57 = vector.extract_strided_slice %transpose3A_49 {offsets = [0, 0], sizes = [64, 1024], strides = [1, 1]} : vector<128x1024xf32> to vector<64x1024xf32>
    %broadcast_in_dim3A_58 = vector.shape_cast %ge3A_55 : vector<1x1024xi1> to vector<1x1024xi1>
    %broadcast_in_dim3A_59 = vector.broadcast %broadcast_in_dim3A_58 : vector<1x1024xi1> to vector<64x1024xi1>
    %select_n3A_60 = arith.select %broadcast_in_dim3A_59, %slice3A_56, %slice3A_57 : vector<64x1024xi1>, vector<64x1024xf32>
    %max3A_61 = arith.constant 0.000000e+00 : f32
    %max3A_62 = vector.broadcast %max3A_61 : f32 to vector<64x1024xf32>
    %max3A_63 = arith.maximumf %select_n3A_60, %max3A_62 : vector<64x1024xf32>
    %swap3A_64 = arith.constant 2 : index
    %swap3A_65 = arith.constant 0 : index
    %swap3A_66 = arith.constant 0 : index
    %swap3A_67 = vector.load %arg4[%swap3A_64, %swap3A_65, %swap3A_66] : memref<8x64x1024xf32, #tpu.memory_space<vmem>>, vector<1x64x1024xf32>
    %swap3A_68 = vector.shape_cast %swap3A_67 : vector<1x64x1024xf32> to vector<64x1024xf32>
    %swap3A_69 = vector.shape_cast %max3A_63 : vector<64x1024xf32> to vector<1x64x1024xf32>
    tpu.vector_store %arg4[%swap3A_64, %swap3A_65, %swap3A_66], %swap3A_69 {strides = array<i32>} : memref<8x64x1024xf32, #tpu.memory_space<vmem>>, vector<1x64x1024xf32>,
    %get3A_70 = arith.constant 3 : index
    %get3A_71 = arith.constant 0 : index
    %get3A_72 = arith.constant 0 : index
    %get3A_73 = vector.load %arg2[%get3A_70, %get3A_71, %get3A_72] : memref<8x1024x128xf32, #tpu.memory_space<vmem>>, vector<1x1024x128xf32>
    %get3A_74 = vector.shape_cast %get3A_73 : vector<1x1024x128xf32> to vector<1024x128xf32>
    %transpose3A_75 = tpu.transpose %get3A_74, [1, 0] : vector<1024x128xf32> -> vector<128x1024xf32>
    %get3A_76 = arith.constant 3 : index
    %get3A_77 = arith.constant 0 : index
    %get3A_78 = vector.load %arg3[%get3A_76, %get3A_77] : memref<8x1024xi32, #tpu.memory_space<vmem>>, vector<1x1024xi32>
    %ge3A_79 = arith.constant 512000 : i32
    %ge3A_80 = vector.broadcast %ge3A_79 : i32 to vector<1x1024xi32>
    %ge3A_81 = arith.cmpi sge, %get3A_78, %ge3A_80 : vector<1x1024xi32>
    %slice3A_82 = vector.extract_strided_slice %transpose3A_75 {offsets = [64, 0], sizes = [64, 1024], strides = [1, 1]} : vector<128x1024xf32> to vector<64x1024xf32>
    %slice3A_83 = vector.extract_strided_slice %transpose3A_75 {offsets = [0, 0], sizes = [64, 1024], strides = [1, 1]} : vector<128x1024xf32> to vector<64x1024xf32>
    %broadcast_in_dim3A_84 = vector.shape_cast %ge3A_81 : vector<1x1024xi1> to vector<1x1024xi1>
    %broadcast_in_dim3A_85 = vector.broadcast %broadcast_in_dim3A_84 : vector<1x1024xi1> to vector<64x1024xi1>
    %select_n3A_86 = arith.select %broadcast_in_dim3A_85, %slice3A_82, %slice3A_83 : vector<64x1024xi1>, vector<64x1024xf32>
    %max3A_87 = arith.constant 0.000000e+00 : f32
    %max3A_88 = vector.broadcast %max3A_87 : f32 to vector<64x1024xf32>
    %max3A_89 = arith.maximumf %select_n3A_86, %max3A_88 : vector<64x1024xf32>
    %swap3A_90 = arith.constant 3 : index
    %swap3A_91 = arith.constant 0 : index
    %swap3A_92 = arith.constant 0 : index
    %swap3A_93 = vector.load %arg4[%swap3A_90, %swap3A_91, %swap3A_92] : memref<8x64x1024xf32, #tpu.memory_space<vmem>>, vector<1x64x1024xf32>
    %swap3A_94 = vector.shape_cast %swap3A_93 : vector<1x64x1024xf32> to vector<64x1024xf32>
    %swap3A_95 = vector.shape_cast %max3A_89 : vector<64x1024xf32> to vector<1x64x1024xf32>
    tpu.vector_store %arg4[%swap3A_90, %swap3A_91, %swap3A_92], %swap3A_95 {strides = array<i32>} : memref<8x64x1024xf32, #tpu.memory_space<vmem>>, vector<1x64x1024xf32>,
    %get3A_96 = arith.constant 4 : index
    %get3A_97 = arith.constant 0 : index
    %get3A_98 = arith.constant 0 : index
    %get3A_99 = vector.load %arg2[%get3A_96, %get3A_97, %get3A_98] : memref<8x1024x128xf32, #tpu.memory_space<vmem>>, vector<1x1024x128xf32>
    %get3A_100 = vector.shape_cast %get3A_99 : vector<1x1024x128xf32> to vector<1024x128xf32>
    %transpose3A_101 = tpu.transpose %get3A_100, [1, 0] : vector<1024x128xf32> -> vector<128x1024xf32>
    %get3A_102 = arith.constant 4 : index
    %get3A_103 = arith.constant 0 : index
    %get3A_104 = vector.load %arg3[%get3A_102, %get3A_103] : memref<8x1024xi32, #tpu.memory_space<vmem>>, vector<1x1024xi32>
    %ge3A_105 = arith.constant 512000 : i32
    %ge3A_106 = vector.broadcast %ge3A_105 : i32 to vector<1x1024xi32>
    %ge3A_107 = arith.cmpi sge, %get3A_104, %ge3A_106 : vector<1x1024xi32>
    %slice3A_108 = vector.extract_strided_slice %transpose3A_101 {offsets = [64, 0], sizes = [64, 1024], strides = [1, 1]} : vector<128x1024xf32> to vector<64x1024xf32>
    %slice3A_109 = vector.extract_strided_slice %transpose3A_101 {offsets = [0, 0], sizes = [64, 1024], strides = [1, 1]} : vector<128x1024xf32> to vector<64x1024xf32>
    %broadcast_in_dim3A_110 = vector.shape_cast %ge3A_107 : vector<1x1024xi1> to vector<1x1024xi1>
    %broadcast_in_dim3A_111 = vector.broadcast %broadcast_in_dim3A_110 : vector<1x1024xi1> to vector<64x1024xi1>
    %select_n3A_112 = arith.select %broadcast_in_dim3A_111, %slice3A_108, %slice3A_109 : vector<64x1024xi1>, vector<64x1024xf32>
    %max3A_113 = arith.constant 0.000000e+00 : f32
    %max3A_114 = vector.broadcast %max3A_113 : f32 to vector<64x1024xf32>
    %max3A_115 = arith.maximumf %select_n3A_112, %max3A_114 : vector<64x1024xf32>
    %swap3A_116 = arith.constant 4 : index
    %swap3A_117 = arith.constant 0 : index
    %swap3A_118 = arith.constant 0 : index
    %swap3A_119 = vector.load %arg4[%swap3A_116, %swap3A_117, %swap3A_118] : memref<8x64x1024xf32, #tpu.memory_space<vmem>>, vector<1x64x1024xf32>
    %swap3A_120 = vector.shape_cast %swap3A_119 : vector<1x64x1024xf32> to vector<64x1024xf32>
    %swap3A_121 = vector.shape_cast %max3A_115 : vector<64x1024xf32> to vector<1x64x1024xf32>
    tpu.vector_store %arg4[%swap3A_116, %swap3A_117, %swap3A_118], %swap3A_121 {strides = array<i32>} : memref<8x64x1024xf32, #tpu.memory_space<vmem>>, vector<1x64x1024xf32>,
    %get3A_122 = arith.constant 5 : index
    %get3A_123 = arith.constant 0 : index
    %get3A_124 = arith.constant 0 : index
    %get3A_125 = vector.load %arg2[%get3A_122, %get3A_123, %get3A_124] : memref<8x1024x128xf32, #tpu.memory_space<vmem>>, vector<1x1024x128xf32>
    %get3A_126 = vector.shape_cast %get3A_125 : vector<1x1024x128xf32> to vector<1024x128xf32>
    %transpose3A_127 = tpu.transpose %get3A_126, [1, 0] : vector<1024x128xf32> -> vector<128x1024xf32>
    %get3A_128 = arith.constant 5 : index
    %get3A_129 = arith.constant 0 : index
    %get3A_130 = vector.load %arg3[%get3A_128, %get3A_129] : memref<8x1024xi32, #tpu.memory_space<vmem>>, vector<1x1024xi32>
    %ge3A_131 = arith.constant 512000 : i32
    %ge3A_132 = vector.broadcast %ge3A_131 : i32 to vector<1x1024xi32>
    %ge3A_133 = arith.cmpi sge, %get3A_130, %ge3A_132 : vector<1x1024xi32>
    %slice3A_134 = vector.extract_strided_slice %transpose3A_127 {offsets = [64, 0], sizes = [64, 1024], strides = [1, 1]} : vector<128x1024xf32> to vector<64x1024xf32>
    %slice3A_135 = vector.extract_strided_slice %transpose3A_127 {offsets = [0, 0], sizes = [64, 1024], strides = [1, 1]} : vector<128x1024xf32> to vector<64x1024xf32>
    %broadcast_in_dim3A_136 = vector.shape_cast %ge3A_133 : vector<1x1024xi1> to vector<1x1024xi1>
    %broadcast_in_dim3A_137 = vector.broadcast %broadcast_in_dim3A_136 : vector<1x1024xi1> to vector<64x1024xi1>
    %select_n3A_138 = arith.select %broadcast_in_dim3A_137, %slice3A_134, %slice3A_135 : vector<64x1024xi1>, vector<64x1024xf32>
    %max3A_139 = arith.constant 0.000000e+00 : f32
    %max3A_140 = vector.broadcast %max3A_139 : f32 to vector<64x1024xf32>
    %max3A_141 = arith.maximumf %select_n3A_138, %max3A_140 : vector<64x1024xf32>
    %swap3A_142 = arith.constant 5 : index
    %swap3A_143 = arith.constant 0 : index
    %swap3A_144 = arith.constant 0 : index
    %swap3A_145 = vector.load %arg4[%swap3A_142, %swap3A_143, %swap3A_144] : memref<8x64x1024xf32, #tpu.memory_space<vmem>>, vector<1x64x1024xf32>
    %swap3A_146 = vector.shape_cast %swap3A_145 : vector<1x64x1024xf32> to vector<64x1024xf32>
    %swap3A_147 = vector.shape_cast %max3A_141 : vector<64x1024xf32> to vector<1x64x1024xf32>
    tpu.vector_store %arg4[%swap3A_142, %swap3A_143, %swap3A_144], %swap3A_147 {strides = array<i32>} : memref<8x64x1024xf32, #tpu.memory_space<vmem>>, vector<1x64x1024xf32>,
    %get3A_148 = arith.constant 6 : index
    %get3A_149 = arith.constant 0 : index
    %get3A_150 = arith.constant 0 : index
    %get3A_151 = vector.load %arg2[%get3A_148, %get3A_149, %get3A_150] : memref<8x1024x128xf32, #tpu.memory_space<vmem>>, vector<1x1024x128xf32>
    %get3A_152 = vector.shape_cast %get3A_151 : vector<1x1024x128xf32> to vector<1024x128xf32>
    %transpose3A_153 = tpu.transpose %get3A_152, [1, 0] : vector<1024x128xf32> -> vector<128x1024xf32>
    %get3A_154 = arith.constant 6 : index
    %get3A_155 = arith.constant 0 : index
    %get3A_156 = vector.load %arg3[%get3A_154, %get3A_155] : memref<8x1024xi32, #tpu.memory_space<vmem>>, vector<1x1024xi32>
    %ge3A_157 = arith.constant 512000 : i32
    %ge3A_158 = vector.broadcast %ge3A_157 : i32 to vector<1x1024xi32>
    %ge3A_159 = arith.cmpi sge, %get3A_156, %ge3A_158 : vector<1x1024xi32>
    %slice3A_160 = vector.extract_strided_slice %transpose3A_153 {offsets = [64, 0], sizes = [64, 1024], strides = [1, 1]} : vector<128x1024xf32> to vector<64x1024xf32>
    %slice3A_161 = vector.extract_strided_slice %transpose3A_153 {offsets = [0, 0], sizes = [64, 1024], strides = [1, 1]} : vector<128x1024xf32> to vector<64x1024xf32>
    %broadcast_in_dim3A_162 = vector.shape_cast %ge3A_159 : vector<1x1024xi1> to vector<1x1024xi1>
    %broadcast_in_dim3A_163 = vector.broadcast %broadcast_in_dim3A_162 : vector<1x1024xi1> to vector<64x1024xi1>
    %select_n3A_164 = arith.select %broadcast_in_dim3A_163, %slice3A_160, %slice3A_161 : vector<64x1024xi1>, vector<64x1024xf32>
    %max3A_165 = arith.constant 0.000000e+00 : f32
    %max3A_166 = vector.broadcast %max3A_165 : f32 to vector<64x1024xf32>
    %max3A_167 = arith.maximumf %select_n3A_164, %max3A_166 : vector<64x1024xf32>
    %swap3A_168 = arith.constant 6 : index
    %swap3A_169 = arith.constant 0 : index
    %swap3A_170 = arith.constant 0 : index
    %swap3A_171 = vector.load %arg4[%swap3A_168, %swap3A_169, %swap3A_170] : memref<8x64x1024xf32, #tpu.memory_space<vmem>>, vector<1x64x1024xf32>
    %swap3A_172 = vector.shape_cast %swap3A_171 : vector<1x64x1024xf32> to vector<64x1024xf32>
    %swap3A_173 = vector.shape_cast %max3A_167 : vector<64x1024xf32> to vector<1x64x1024xf32>
    tpu.vector_store %arg4[%swap3A_168, %swap3A_169, %swap3A_170], %swap3A_173 {strides = array<i32>} : memref<8x64x1024xf32, #tpu.memory_space<vmem>>, vector<1x64x1024xf32>,
    %get3A_174 = arith.constant 7 : index
    %get3A_175 = arith.constant 0 : index
    %get3A_176 = arith.constant 0 : index
    %get3A_177 = vector.load %arg2[%get3A_174, %get3A_175, %get3A_176] : memref<8x1024x128xf32, #tpu.memory_space<vmem>>, vector<1x1024x128xf32>
    %get3A_178 = vector.shape_cast %get3A_177 : vector<1x1024x128xf32> to vector<1024x128xf32>
    %transpose3A_179 = tpu.transpose %get3A_178, [1, 0] : vector<1024x128xf32> -> vector<128x1024xf32>
    %get3A_180 = arith.constant 7 : index
    %get3A_181 = arith.constant 0 : index
    %get3A_182 = vector.load %arg3[%get3A_180, %get3A_181] : memref<8x1024xi32, #tpu.memory_space<vmem>>, vector<1x1024xi32>
    %ge3A_183 = arith.constant 512000 : i32
    %ge3A_184 = vector.broadcast %ge3A_183 : i32 to vector<1x1024xi32>
    %ge3A_185 = arith.cmpi sge, %get3A_182, %ge3A_184 : vector<1x1024xi32>
    %slice3A_186 = vector.extract_strided_slice %transpose3A_179 {offsets = [64, 0], sizes = [64, 1024], strides = [1, 1]} : vector<128x1024xf32> to vector<64x1024xf32>
    %slice3A_187 = vector.extract_strided_slice %transpose3A_179 {offsets = [0, 0], sizes = [64, 1024], strides = [1, 1]} : vector<128x1024xf32> to vector<64x1024xf32>
    %broadcast_in_dim3A_188 = vector.shape_cast %ge3A_185 : vector<1x1024xi1> to vector<1x1024xi1>
    %broadcast_in_dim3A_189 = vector.broadcast %broadcast_in_dim3A_188 : vector<1x1024xi1> to vector<64x1024xi1>
    %select_n3A_190 = arith.select %broadcast_in_dim3A_189, %slice3A_186, %slice3A_187 : vector<64x1024xi1>, vector<64x1024xf32>
    %max3A_191 = arith.constant 0.000000e+00 : f32
    %max3A_192 = vector.broadcast %max3A_191 : f32 to vector<64x1024xf32>
    %max3A_193 = arith.maximumf %select_n3A_190, %max3A_192 : vector<64x1024xf32>
    %swap3A_194 = arith.constant 7 : index
    %swap3A_195 = arith.constant 0 : index
    %swap3A_196 = arith.constant 0 : index
    %swap3A_197 = vector.load %arg4[%swap3A_194, %swap3A_195, %swap3A_196] : memref<8x64x1024xf32, #tpu.memory_space<vmem>>, vector<1x64x1024xf32>
    %swap3A_198 = vector.shape_cast %swap3A_197 : vector<1x64x1024xf32> to vector<64x1024xf32>
    %swap3A_199 = vector.shape_cast %max3A_193 : vector<64x1024xf32> to vector<1x64x1024xf32>
    tpu.vector_store %arg4[%swap3A_194, %swap3A_195, %swap3A_196], %swap3A_199 {strides = array<i32>} : memref<8x64x1024xf32, #tpu.memory_space<vmem>>, vector<1x64x1024xf32>,
    return
  }
  func.func @transform_0(%arg0: i32, %arg1: i32) -> (i32, i32, i32) {
    %c0_i32 = arith.constant 0 : i32
    %c0_i32_0 = arith.constant 0 : i32
    return %arg0, %arg1, %c0_i32 : i32, i32, i32
  }
  func.func @transform_1(%arg0: i32, %arg1: i32) -> (i32, i32) {
    %c0_i32 = arith.constant 0 : i32
    return %arg0, %arg1 : i32, i32
  }
  func.func @transform_2(%arg0: i32, %arg1: i32) -> (i32, i32, i32) {
    %c0_i32 = arith.constant 0 : i32
    %c0_i32_0 = arith.constant 0 : i32
    return %arg0, %c0_i32, %arg1 : i32, i32, i32
  }
}

</mosaic_0001>

<sc_bundles>
// kernel: kernel.5.cloned.1.call-start
scs
__scs_entry_jumppad:
0x0: {  	(pc) =	sbr.rel $0x88, $3  }
0x1: {  	(tag) =	ssettag $0x0;
	lr =	simm.s32 $0x1  }
0x2: {  	[smem:$0x3F9F] =	sst lr;
	_ =	strace $0xD0000000  }
0x3: {  	_ = 	snop  }
0x4: {  	_ = 	snop  }
0x5: {  	_ = 	snop  }
0x6: {  	_ = 	snop  }
0x7: {  	_ = 	snop  }
__scs_overlays_trampoline_lowered:
0x8: {  	[smem:$0x3FAE] =	sst s0  }
0x9: {  	[smem:$0x3FAF] =	sst s1  }
0xa: {  	[smem:$0x3FB0] =	sst s2  }
0xb: {  	[smem:$0x3FB1] =	sst s3  }
0xc: {  	[smem:$0x3FB2] =	sst s4  }
0xd: {  	[smem:$0x3FB3] =	sst s5  }
0xe: {  	[smem:$0x3FB4] =	sst s6  }
0xf: {  	[smem:$0x3FB5] =	sst s7  }
0x10: {  	[smem:$0x3FB6] =	sst s8  }
0x11: {  	[smem:$0x3FB7] =	sst s9;
	s0 =	simm.s32 @!p0 $0x0  }
0x12: {  	s1 =	sld [smem:$0x3F9D];
	s0 =	simm.s32 @p0 $0x1  }
0x13: {  	[smem:$0x3FB8] =	sst s0;
	s0 =	simm.s32 @!p1 $0x0  }
0x14: {  	s2 =	sld [smem:$0x3F9C];
	s0 =	simm.s32 @p1 $0x1  }
0x15: {  	[smem:$0x3FB9] =	sst s0;
	s0 =	simm.s32 @!p2 $0x0  }
0x16: {  	s3 =	sld [smem:$0x3FDB];
	s0 =	simm.s32 @p2 $0x1  }
0x17: {  	s4 =	simm.s32 $0x1BF5;
	[smem:$0x3FBB] =	sst s0  }
0x18: {  	s0 =	sld [smem:$0x3F9E];
	_ =	swait.ge [sflag:s4], $0x0  }
0x19: {  	s7 =	sld [smem:$0x3F9F]  }
0x1a: {  	s8 =	sadd.s32 $0xFFFFE003, lr  }
0x1b: {  	s9 =	sadd.s32 $0xFFFFFEF7, lr;
	s5 =	simm.s32 $0xFFFFFFFF;
	p2 =	slt.u32 s8, $0xFFFFF086  }
0x1c: {  	p1 =	slt.u32 s9, $0xF7A;
	s5 =	simm.s32 @!p2 $0x0  }
0x1d: {  	s5 =	simm.s32 @p1 $0x1;
	p0 =	seq.s32 s7, s2  }
0x1e: {  	s7 =	smul.u32 @!p0 $0xF7A, s2;
	p2 =	seq.s32 @!p0 s5, $0x0  }
0x1f: {  	s9 =	smul.u32 $0xF7A, s1;
	s8 =	simm.s32 @!p0 $0x1BF5;
	p2 =	por !p2, p0  }
0x20: {  	[sflag:s8] =	ssyncset.s32 @!p0 $0xFFFFF086;
	s6 =	sadd.s32 @!p0 s3, s7;
	s7 =	simm.s32 @!p0 $0x108  }
0x21: {  	s3 =	sadd.s32 s3, s9;
	s6 =	sadd.s32 @!p0 $0x88, s6;
	s7 =	simm.s32 @p2 $0x1082  }
0x22: {  	[simem:s7], [sflag:s8] =	dma.local @!p0 [hbm:s6], $0xF7A  }
0x23: {  	s9 =	sor.u32 $0xD0000000, s2;
	s6 =	simm.s32 $0x108;
	_ =	swait.ge @!p0 [sflag:s8], $0x0  }
0x24: {  	s3 =	sadd.s32 $0x88, s3;
	s6 =	simm.s32 @!p1 $0x1082;
	[sflag:s4] =	ssyncset.s32 $0xFFFFF086  }
0x25: {  	[simem:s6], [sflag:s4] =	dma.local [hbm:s3], $0xF7A  }
0x26: {  	[smem:$0x3F9F] =	sst s1;
	(tag) =	ssettag s2;
	_ =	strace s9  }
0x27: {  	s1 =	sld [smem:$0x3FAF]  }
0x28: {  	s2 =	sld [smem:$0x3FB0]  }
0x29: {  	s4 =	sld [smem:$0x3FB2]  }
0x2a: {  	p0 =	seq.s32 s5, $0x0;
	s5 =	sld [smem:$0x3FB3]  }
0x2b: {  	s6 =	sld [smem:$0x3FB4]  }
0x2c: {  	s7 =	sld [smem:$0x3FB5]  }
0x2d: {  	s3 =	simm.s32 $0x108;
	s8 =	sld [smem:$0x3FB6]  }
0x2e: {  	s3 =	simm.s32 @!p0 $0x1082;
	s9 =	sld [smem:$0x3FB7]  }
0x2f: {  	lr =	sadd.s32 s0, s3;
	s0 =	sld [smem:$0x3FAE]  }
0x30: {  	s3 =	sld [smem:$0x3FB1]  }
0x31: {  	[smem:$0x3FBA] =	sst s10  }
0x32: {  	s10 =	sld [smem:$0x3FB8];
	_ =	sdelay $0x3  }
0x33: {  	p0 =	seq.s32 s10, $0x1;
	s10 =	sld [smem:$0x3FBA];
	_ =	sdelay $0x3  }
0x34: {  	[smem:$0x3FBA] =	sst s10  }
0x35: {  	s10 =	sld [smem:$0x3FB9];
	_ =	sdelay $0x3  }
0x36: {  	p1 =	seq.s32 s10, $0x1;
	s10 =	sld [smem:$0x3FBA];
	_ =	sdelay $0x3  }
0x37: {  	[smem:$0x3FBA] =	sst s10  }
0x38: {  	s10 =	sld [smem:$0x3FBB]  }
0x39: {  	_ = 	snop;
	(pc) =	sbr.ind lr, $3  }
0x3a: {  	_ = 	snop  }
0x3b: {  	_ = 	snop  }
0x3c: {  	p2 =	seq.s32 s10, $0x1;
	s10 =	sld [smem:$0x3FBA]  }
0x3d: {  	_ =	shalt  }
0x3e: {  	_ =	shalt  }
0x3f: {  	_ =	shalt  }
0x40: {  	_ =	shalt  }
0x41: {  	_ =	shalt  }
0x42: {  	_ =	shalt  }
0x43: {  	_ =	shalt  }
0x44: {  	_ =	shalt  }
0x45: {  	_ =	shalt  }
0x46: {  	_ =	shalt  }
0x47: {  	_ =	shalt  }
0x48: {  	_ =	shalt  }
0x49: {  	_ =	shalt  }
0x4a: {  	_ =	shalt  }
0x4b: {  	_ =	shalt  }
0x4c: {  	_ =	shalt  }
0x4d: {  	_ =	shalt  }
0x4e: {  	_ =	shalt  }
0x4f: {  	_ =	shalt  }
0x50: {  	_ =	shalt  }
0x51: {  	_ =	shalt  }
0x52: {  	_ =	shalt  }
0x53: {  	_ =	shalt  }
0x54: {  	_ =	shalt  }
0x55: {  	_ =	shalt  }
0x56: {  	_ =	shalt  }
0x57: {  	_ =	shalt  }
0x58: {  	_ =	shalt  }
0x59: {  	_ =	shalt  }
0x5a: {  	_ =	shalt  }
0x5b: {  	_ =	shalt  }
0x5c: {  	_ =	shalt  }
0x5d: {  	_ =	shalt  }
0x5e: {  	_ =	shalt  }
0x5f: {  	_ =	shalt  }
0x60: {  	_ =	shalt  }
0x61: {  	_ =	shalt  }
0x62: {  	_ =	shalt  }
0x63: {  	_ =	shalt  }
0x64: {  	_ =	shalt  }
0x65: {  	_ =	shalt  }
0x66: {  	_ =	shalt  }
0x67: {  	_ =	shalt  }
0x68: {  	_ =	shalt  }
0x69: {  	_ =	shalt  }
0x6a: {  	_ =	shalt  }
0x6b: {  	_ =	shalt  }
0x6c: {  	_ =	shalt  }
0x6d: {  	_ =	shalt  }
0x6e: {  	_ =	shalt  }
0x6f: {  	_ =	shalt  }
0x70: {  	_ =	shalt  }
0x71: {  	_ =	shalt  }
0x72: {  	_ =	shalt  }
0x73: {  	_ =	shalt  }
0x74: {  	_ =	shalt  }
0x75: {  	_ =	shalt  }
0x76: {  	_ =	shalt  }
0x77: {  	_ =	shalt  }
0x78: {  	_ =	shalt  }
0x79: {  	_ =	shalt  }
0x7a: {  	_ =	shalt  }
0x7b: {  	_ =	shalt  }
0x7c: {  	_ =	shalt  }
0x7d: {  	_ =	shalt  }
0x7e: {  	_ =	shalt  }
0x7f: {  	_ =	shalt  }
0x80: {  	_ =	shalt  }
0x81: {  	_ =	shalt  }
0x82: {  	_ =	shalt  }
0x83: {  	_ =	shalt  }
0x84: {  	_ =	shalt  }
0x85: {  	_ =	shalt  }
0x86: {  	_ =	shalt  }
0x87: {  	_ =	shalt  }
.Lfunc_end0:
.L_simem_size_0:
called_computation_lowered:
.L_overlay_start_0:
0x88: {  	s2 =	sld [smem:$0x3FD9]  }
0x89: {  	s3 =	sld [smem:$0x3FFE];
	_ =	sdelay $0x1  }
0x8a: {  	s1 =	srdreg.scid  }
0x8b: {  	s0 =	sand.u32 $0x1, s1  }
0x8c: {  	s17 =	sshll.u32 s0, $0xA;
	s2 =	sadd.s32 s3, s2  }
0x8d: {  	s2 =	sadd.s32 s2, s17  }
0x8e: {  	[smem:$0x3FC6] =	sst s2  }
0x8f: {  	_ = 	snop  }
0x90: {  	s2 =	sld [smem:$0x3FD0];
	(tm) =	ssettm $0x1  }
0x91: {  	s18 =	sld [smem:$0x3FFB];
	_ =	sdelay $0x3  }
0x92: {  	_ =	strace s18  }
0x93: {  	s3 =	sld [smem:$0x3FFC];
	_ =	sdelay $0x3  }
0x94: {  	_ =	strace s3  }
0x95: {  	s3 =	sld [smem:$0x3FFD];
	_ =	sdelay $0x3  }
0x96: {  	_ =	strace s3  }
0x97: {  	_ =	strace $0x8FFFFFFF  }
0x98: {  	s19 =	sld [smem:$0x3FDB];
	_ =	sdelay $0x1  }
0x99: {  	s4 =	simm.s32 $_scs_section_size  }
0x9a: {  	s5 =	simm.s32 $_size__tile_overlayer_lowered;
	s6 =	simm.s32 $_tile_overlayer_lowered  }
0x9b: {  	s22 =	simm.s32 $0x1BFF;
	s21 =	sshll.u32 s6, $0x1;
	s3 =	sadd.s32 s4, s19  }
0x9c: {  	s7 =	simm.s32 $0x0;
	s20 =	sshll.u32 s5, $0x1;
	s5 =	sadd.s32 s21, s3  }
0x9d: {  	[timem:s7], [sflag:s22] =	dma.local [hbm:s5], s20  }
0x9e: {  	_ =	swait.ge [sflag:s22], s20  }
0x9f: {  	s4 =	ssub.s32 $0x0, s20;
	[sflag:s22] =	ssyncset.done $0x0  }
0xa0: {  	[sflag:s22] =	ssyncadd.s32 s4;
	_ =	sdelay $0x1  }
0xa1: {  	s23 =	simm.s32 $0x1B8B  }
0xa2: {  	_ =	swait.ge [sflag:s23], $0x1  }
0xa3: {  	[sflag:s23] =	ssyncset.done $0x0  }
0xa4: {  	s25 =	simm.s32 $0x1B8E;
	s24 =	sld [smem:$0x3FFE];
	[sflag:s23] =	ssyncadd.s32 $0xFFFFFFFF  }
0xa5: {  	s26 =	simm.s32 $execute0_lowered;
	[smem:$0x3FD2] =	sst s25  }
0xa6: {  	s5 =	sshll.u32 s26, $0x1;
	_ =	strace $0x80000046;
	[dreg:$0x1] =	wrdreg $0xFFFFFFFF  }
0xa7: {  	s28 =	simm.s32 $_size_execute0_lowered;
	s3 =	sadd.s32 s3, s5;
	[dreg:$0x0] =	wrdreg $0x0  }
0xa8: {  	s5 =	sshll.u32 s28, $0x1;
	[dreg:$0x2] =	wrdreg s3  }
0xa9: {  	[dreg:$0x3] =	wrdreg s5  }
0xaa: {  	[dreg:$0x4] =	wrdreg $0xC0  }
0xab: {  	_ =	task [dreg:s7], $0x5FFFF  }
0xac: {  	[dreg:$0x1] =	wrdreg $0xFFFFFFFF  }
0xad: {  	[dreg:$0x0] =	wrdreg $0x60  }
0xae: {  	[dreg:$0x2] =	wrdreg s24  }
0xaf: {  	[dreg:$0x3] =	wrdreg s2  }
0xb0: {  	[dreg:$0x4] =	wrdreg $0x9  }
0xb1: {  	_ =	task.clear_ibuf [dreg:s7], $0x5FFFF;
	_ =	strace $0x90000046  }
0xb2: {  	s29 =	simm.s32 $0x9;
	_ =	strace $0x80000048  }
0xb3: {  	_ =	swait.ge [sflag:s29], $0x1  }
0xb4: {  	[sflag:s29] =	ssyncadd.s32 $0xFFFFFFFF  }
0xb5: {  	_ =	strace $0x90000048  }
0xb6: {  	_ =	sfence  }
0xb7: {  	s30 =	sld [smem:$0x0];
	_ =	sdelay $0x2  }
0xb8: {  	s31 =	sshll.u32 s1, $0xD;
	s1 =	sshrl.u32 s1, $0x2  }
0xb9: {  	s3 =	sand.u32 $0x4000, s31;
	s1 =	sadd.s32 s1, s30  }
0xba: {  	s0 =	sor.u32 s3, s0;
	s1 =	sshll.u32 s1, $0x11  }
0xbb: {  	s0 =	sor.u32 s1, s0  }
0xbc: {  	s0 =	sadd.s32 $0x8F2B, s0  }
0xbd: {  	[sflag:s0] =	ssyncadd.remote.s32 $0x1  }
0xbe: {  	_ =	sfence.sel $0xFFFF  }
0xbf: {  	[dreg:$0x0] =	wrdreg $0xFFFFFFFF;
	(pc) =	sbr.abs _section_cstart, $3  }
0xc0: {  	[dreg:$0x1] =	wrdreg $0xFFFFFFFF  }
0xc1: {  	_ =	task.clear_ibuf [dreg:s7], $0x2FFFF;
	_ =	strace $0x9FFFFFFF  }
0xc2: {  	(tm) =	ssettm $0x7FFFFFFF  }
0xc3: {  	_ =	shalt  }
tec
execute0_lowered:
.L_overlay_start_1:
0x0: {  	(tag) =	ssettag $0x1  }
0x1: {  	s0 =	srdreg.scid  }
0x2: {  	s12 =	stileid.u32;
	s1 =	rddreg [dreg:$0x0]  }
0x3: {  	s4 =	rddreg [dreg:$0x1];
	s13 =	simm.s32 $0x6400;
	s6 =	smul.u32 $0xC800, s12  }
0x4: {  	s14 =	simm.s32 $0xA400;
	s28 =	simm.s32 $0xA;
	s10 =	smul.u32 $0xC8000, s12  }
0x5: {  	s29 =	simm.s32 $0x0;
	s0 =	sand.u32 $0x1, s0;
	s17 =	smul.u32 $0x640000, s12  }
0x6: {  	s2 =	sshll.u32 s12, $0x1;
	s11 =	sadd.s32 $0x7D0600, s1;
	s8 =	smul.u32 $0x6400, s0  }
0x7: {  	s12 =	simm.s32 $0x80;
	s3 =	sor.u32 s0, s2;
	s16 =	smul.u32 $0x64000, s0  }
0x8: {  	s2 =	simm.s32 $0x0;
	s7 =	ssub.s32 $0x2, s0;
	s19 =	smul.u32 $0x320000, s0  }
0x9: {  	s5 =	smul.u32 $0x6400, s3;
	[smem:$0x7FF] =	sst s2;
	s3 =	sadd.s32 $0x600, s1  }
0xa: {  	s9 =	sshrl.u32 s7, $0x1;
	s22 =	sadd.s32 s10, s11;
	_ =	strace $0x80000047  }
0xb: {  	s15 =	ssub.s32 s7, s9;
	s6 =	sadd.s32 s8, s6;
	s23 =	sadd.s32 s16, s22  }
0xc: {  	s24 =	sadd.s32 s19, s17;
	s16 =	simm.s32 $0xE400;
	s17 =	simm.s32 $0x2  }
0xd: {  	s19 =	simm.s32 $0x3;
	s22 =	simm.s32 $0x5;
	s5 =	sshrl.u32 s5, $0x3  }
0xe: {  	s18 =	sshll.u32 s6, $0x4;
	s20 =	smax.u32 s15, $0x1;
	[dreg:$0x6] =	wrdreg s23  }
0xf: {  	s25 =	sor.u32 $0x10000, s24;
	s1 =	sor.u32 $0x8000, s24;
	s15 =	simm.s32 $0x1  }
0x10: {  	s23 =	simm.s32 $0x6;
	s4 =	sadd.s32 s4, s5;
	[dreg:$0x4] =	wrdreg s20  }
0x11: {  	s21 =	sadd.s32 s18, s11;
	s5 =	sor.u32 $0xC000, s24;
	s26 =	sshrl.u32 s1, $0x3  }
0x12: {  	s18 =	simm.s32 $0x12400;
	s20 =	simm.s32 $0x16400;
	s24 =	simm.s32 $0x7  }
.Ltmp0:
0x13: {  	[dreg:$0x3] =	wrdreg s4;
	s0 =	sadd.s32 $0x800, s21;
	(pc) =	sbr.rel .LBB2_1-.Ltmp0, $4  }
0x14: {  	s4 =	sshrl.u32 s25, $0x3;
	s5 =	sshrl.u32 s5, $0x3;
	s10 =	sadd.s32 s26, s11  }
0x15: {  	s21 =	simm.s32 $0x4;
	[dreg:$0x5] =	wrdreg s0;
	s30 =	sadd.s32 s4, s11  }
0x16: {  	s25 =	simm.s32 $0x8;
	s31 =	sadd.s32 s5, s11;
	[dreg:$0x7] =	wrdreg s30  }
0x17: {  	s26 =	simm.s32 $0x9;
	s11 =	simm.s32 $0xB;
	[dreg:$0x8] =	wrdreg s31  }
.LBB2_4:
0x18: {  	_ =	swait.ge [sflag:s23], $0x4000  }
0x19: {  	[sflag:s23] =	ssyncset.done $0x0  }
0x1a: {  	[sflag:s23] =	ssyncadd.s32 $0xFFFFC000  }
0x1b: {  	_ =	swait.ge [sflag:s24], $0x4000  }
0x1c: {  	[sflag:s24] =	ssyncset.done $0x0  }
0x1d: {  	[sflag:s24] =	ssyncadd.s32 $0xFFFFC000  }
0x1e: {  	_ =	swait.ge [sflag:s25], $0x4000  }
0x1f: {  	[sflag:s25] =	ssyncset.done $0x0  }
0x20: {  	[sflag:s25] =	ssyncadd.s32 $0xFFFFC000  }
0x21: {  	_ =	swait.ge [sflag:s26], $0x4000  }
0x22: {  	[sflag:s26] =	ssyncset.done $0x0  }
0x23: {  	[sflag:s26] =	ssyncadd.s32 $0xFFFFC000  }
0x24: {  	_ =	swait.ge [sflag:s28], $0x4000  }
0x25: {  	s29 =	sadd.s32 $0x1, s29;
	s0 =	rddreg [dreg:$0x4]  }
0x26: {  	p0 =	sne.s32 s29, s0  }
.Ltmp1:
0x27: {  	_ = 	snop;
	(pc) =	sbr.rel @!p0 .LBB2_5-.Ltmp1, $3  }
0x28: {  	_ =	sdelay $0x1  }
0x29: {  	[sflag:s28] =	ssyncset.done $0x0  }
0x2a: {  	[sflag:s28] =	ssyncadd.s32 $0xFFFFC000  }
.LBB2_1:
0x2b: {  	s0 =	rddreg [dreg:$0x3]  }
0x2c: {  	[tilespmem:s2], [sflag:$0xB] =	stream.linear.gather [hbm4b:s0+s2], $0x6400, $0x38;
	[tilespmem:$0x1A400] =	vst v63  }
0x2d: {  	_ =	swait.ge [sflag:s11], $0x6400  }
0x2e: {  	s31 =	rddreg [dreg:$0x8]  }
0x2f: {  	[sflag:s11] =	ssyncset.done $0x0;
	s8 =	rddreg [dreg:$0x7]  }
0x30: {  	s7 =	rddreg [dreg:$0x6];
	[sflag:s11] =	ssyncadd.s32 $0xFFFF9C00  }
0x31: {  	[tilespmem:s13], [sflag:$0x1] =	stream.indirect.gather [hbm4b:s3+s12], $0x80, s2, s12, $0xb8;
	[tilespmem:$0x1A400] =	vst v63  }
0x32: {  	s30 =	smov.u32 s10;
	s5 =	simm.s32 $0x0;
	s6 =	rddreg [dreg:$0x5]  }
0x33: {  	[tilespmem:s14], [sflag:$0x2] =	stream.indirect.gather [hbm4b:s3+s12], $0x80, s12, s12, $0xb8;
	[tilespmem:$0x1A400] =	vst v63  }
.LBB2_2:
0x34: {  	_ =	swait.ge [sflag:s15], $0x4000  }
0x35: {  	p0 =	seq.s32 s5, $0x0;
	[sflag:s15] =	ssyncset.done $0x0  }
0x36: {  	s0 =	simm.s32 @!p0 $0x8;
	[sflag:s15] =	ssyncadd.s32 $0xFFFFC000  }
0x37: {  	[hbm4b:s7+s2] =	stream.linear.scatter [tilespmem:s13], [sflag:$0x6], $0x4000, $0x38;
	[tilespmem:$0x1A400] =	vst v63  }
0x38: {  	_ =	swait.ge @!p0 [sflag:s0], $0x4000  }
0x39: {  	s4 =	sshra.s32 s5, $0x2;
	[sflag:s0] =	ssyncset.done @!p0 $0x0  }
0x3a: {  	s9 =	sadd.s32 $0x100, s4;
	[sflag:s0] =	ssyncadd.s32 @!p0 $0xFFFFC000  }
0x3b: {  	[tilespmem:s16], [sflag:$0x3] =	stream.indirect.gather [hbm4b:s3+s12], $0x80, s9, s12, $0xb8;
	[tilespmem:$0x1A400] =	vst v63  }
0x3c: {  	_ =	swait.ge [sflag:s17], $0x4000  }
0x3d: {  	[sflag:s17] =	ssyncset.done $0x0  }
0x3e: {  	s0 =	simm.s32 @!p0 $0x9;
	[sflag:s17] =	ssyncadd.s32 $0xFFFFC000  }
0x3f: {  	[hbm4b:s6+s2] =	stream.linear.scatter [tilespmem:s14], [sflag:$0x7], $0x4000, $0x38;
	[tilespmem:$0x1A400] =	vst v63  }
0x40: {  	_ =	swait.ge @!p0 [sflag:s0], $0x4000  }
0x41: {  	[sflag:s0] =	ssyncset.done @!p0 $0x0  }
0x42: {  	s1 =	sadd.s32 $0x180, s4;
	[sflag:s0] =	ssyncadd.s32 @!p0 $0xFFFFC000  }
0x43: {  	[tilespmem:s18], [sflag:$0x4] =	stream.indirect.gather [hbm4b:s3+s12], $0x80, s1, s12, $0xb8;
	[tilespmem:$0x1A400] =	vst v63  }
0x44: {  	_ =	swait.ge [sflag:s19], $0x4000  }
0x45: {  	[sflag:s19] =	ssyncset.done $0x0  }
0x46: {  	s0 =	simm.s32 @!p0 $0xA;
	[sflag:s19] =	ssyncadd.s32 $0xFFFFC000  }
0x47: {  	[hbm4b:s30+s2] =	stream.linear.scatter [tilespmem:s16], [sflag:$0x8], $0x4000, $0x38;
	[tilespmem:$0x1A400] =	vst v63  }
0x48: {  	_ =	swait.ge @!p0 [sflag:s0], $0x4000  }
0x49: {  	[sflag:s0] =	ssyncset.done @!p0 $0x0  }
0x4a: {  	s9 =	sadd.s32 $0x200, s4;
	[sflag:s0] =	ssyncadd.s32 @!p0 $0xFFFFC000  }
0x4b: {  	[tilespmem:s20], [sflag:$0x5] =	stream.indirect.gather [hbm4b:s3+s12], $0x80, s9, s12, $0xb8;
	[tilespmem:$0x1A400] =	vst v63  }
0x4c: {  	_ =	swait.ge [sflag:s21], $0x4000  }
0x4d: {  	p0 =	seq.s32 s5, $0x18600;
	[sflag:s21] =	ssyncset.done $0x0  }
0x4e: {  	s0 =	simm.s32 @!p0 $0x6;
	[sflag:s21] =	ssyncadd.s32 $0xFFFFC000  }
0x4f: {  	[hbm4b:s31+s2] =	stream.linear.scatter [tilespmem:s18], [sflag:$0x9], $0x4000, $0x38;
	[tilespmem:$0x1A400] =	vst v63  }
0x50: {  	_ =	swait.ge @!p0 [sflag:s0], $0x4000  }
0x51: {  	[sflag:s0] =	ssyncset.done @!p0 $0x0  }
0x52: {  	[sflag:s0] =	ssyncadd.s32 @!p0 $0xFFFFC000;
	s0 =	sshra.s32 @!p0 s5, $0x2  }
0x53: {  	s1 =	simm.s32 @!p0 $0x80;
	s9 =	simm.s32 @!p0 $0x6400;
	s0 =	sadd.s32 @!p0 $0x280, s0  }
0x54: {  	[tilespmem:s9], [sflag:$0x1] =	stream.indirect.gather @!p0 [hbm4b:s3+s1], $0x80, s0, s1, $0xb8;
	[tilespmem:$0x1A400] =	vst v63  }
.Ltmp2:
0x55: {  	_ = 	snop;
	(pc) =	sbr.rel @p0 .LBB2_4-.Ltmp2, $4  }
0x56: {  	_ =	swait.ge [sflag:s22], $0x4000  }
0x57: {  	[sflag:s22] =	ssyncset.done $0x0  }
0x58: {  	[sflag:s22] =	ssyncadd.s32 $0xFFFFC000  }
0x59: {  	[hbm4b:s8+s2] =	stream.linear.scatter [tilespmem:s20], [sflag:$0xA], $0x4000, $0x38;
	[tilespmem:$0x1A400] =	vst v63  }
.Ltmp3:
0x5a: {  	_ =	swait.ge [sflag:s24], $0x4000;
	(pc) =	sbr.rel .LBB2_2-.Ltmp3, $4  }
0x5b: {  	s0 =	sadd.s32 $0x300, s4;
	s5 =	sadd.s32 $0xA00, s5;
	s6 =	sadd.s32 $0x2800, s6  }
0x5c: {  	s7 =	sadd.s32 $0x2800, s7;
	s8 =	sadd.s32 $0x2800, s8;
	[sflag:s24] =	ssyncset.done $0x0  }
0x5d: {  	s31 =	sadd.s32 $0x2800, s31;
	s30 =	sadd.s32 $0x2800, s30;
	[sflag:s24] =	ssyncadd.s32 $0xFFFFC000  }
0x5e: {  	[tilespmem:s14], [sflag:$0x2] =	stream.indirect.gather [hbm4b:s3+s12], $0x80, s0, s12, $0xb8;
	[tilespmem:$0x1A400] =	vst v63  }
.LBB2_5:
0x5f: {  	_ =	sfence.sel $0x180000  }
0x60: {  	[bflag:$0x0] =	sbarrier.arrive $0xFFFF  }
0x61: {  	_ =	strace $0x90000047  }
0x62: {  	s0 =	stileid.u32;
	[bflag:$0x2] =	sbarrier.arrive $0xFFFF  }
0x63: {  	p0 =	sne.s32 s0, $0x0;
	s0 =	rddreg [dreg:$0x2]  }
0x64: {  	s0 =	sadd.s32 @!p0 $0x100000, s0  }
0x65: {  	[sflag:s0] =	ssyncadd.tile.s32 @!p0 $0x1;
	_ =	shalt  }
.Lfunc_end2:
_tile_overlayer_lowered:
.L_overlay_start_2:
0x66: {  	(tag) =	ssettag $0x2  }
0x67: {  	s0 =	rddreg [dreg:$0x0];
	s2 =	stileid.u32  }
0x68: {  	s1 =	rddreg [dreg:$0x1];
	p0 =	sne.s32 s2, $0x0  }
0x69: {  	s3 =	rddreg [dreg:$0x2];
	[bflag:$0x3] =	sbarrier.arrive $0xFFFF;
	s2 =	simm.s32 @!p0 $0x1C0B  }
0x6a: {  	[timem:s3], [sflag:s2] =	dma.local @!p0 [hbm:s0], s1  }
0x6b: {  	s0 =	simm.s32 @!p0 $0xB  }
0x6c: {  	_ =	swait.ge @!p0 [sflag:s0], s1  }
0x6d: {  	s1 =	ssub.s32 @!p0 $0x0, s1;
	[sflag:s0] =	ssyncset.done @!p0 $0x0  }
0x6e: {  	[sflag:s0] =	ssyncadd.s32 @!p0 s1  }
0x6f: {  	[bflag:$0x3] =	sbarrier.arrive $0xFFFF  }
0x70: {  	_ =	shalt  }

</sc_bundles>
